<compile_context>
chip_gen: v7x
topology: tpu7x:2x2x1
jax: 0.10.2.dev20260603
libtpu: 0.0.44.dev20260713+nightly
codegen_flags: <defaults>
</compile_context>

<pallas_src>
import functools

import numpy as np
import jax
import jax.numpy as jnp
from jax import lax
from jax.experimental import pallas as pl
from jax.experimental.pallas import tpu as pltpu
from jax.experimental.pallas import tpu_sc as plsc

_STRIDES = [4, 4, 4, 4]
_RADII = [0.1, 0.2, 0.4, 0.8]
_NS = 32
_INF = np.float32(np.inf)


def _fps_body(m, n_rows, B, xyz_ref, out_ref):
    rows = lax.broadcasted_iota(jnp.int32, (n_rows, 128), 0)
    cols = lax.broadcasted_iota(jnp.int32, (n_rows, 128), 1)
    iota = rows * 128 + cols
    iotaf = iota.astype(jnp.float32)
    n = n_rows * 128

    xs = [xyz_ref[b, 0] for b in range(B)]
    ys = [xyz_ref[b, 1] for b in range(B)]
    zs = [xyz_ref[b, 2] for b in range(B)]

    for b in range(B):
        out_ref[b, pl.ds(0, 1), :] = jnp.zeros((1, 1), jnp.int32)

    dists0 = [jnp.full((n_rows, 128), 1e10, jnp.float32) for _ in range(B)]
    cs0 = [(xs[b][0, 0], ys[b][0, 0], zs[b][0, 0]) for b in range(B)]

    def step(t, carry):
        dists, cs = carry
        nd, ncs = [], []
        for b in range(B):
            cx, cy, cz = cs[b]
            dx = xs[b] - cx
            dy = ys[b] - cy
            dz = zs[b] - cz
            d = dx * dx + dy * dy + dz * dz
            db = jnp.minimum(dists[b], d)
            mx = jnp.max(db)
            sel = db == mx
            cnt = jnp.sum(jnp.where(sel, 1.0, 0.0))
            idx0 = jnp.sum(jnp.where(sel, iotaf, 0.0)).astype(jnp.int32)
            cx0 = jnp.sum(jnp.where(sel, xs[b], 0.0))
            cy0 = jnp.sum(jnp.where(sel, ys[b], 0.0))
            cz0 = jnp.sum(jnp.where(sel, zs[b], 0.0))

            def _tie(_):
                idxm = jnp.min(jnp.where(sel, iota, n))
                sx = iota == idxm
                return (idxm,
                        jnp.sum(jnp.where(sx, xs[b], 0.0)),
                        jnp.sum(jnp.where(sx, ys[b], 0.0)),
                        jnp.sum(jnp.where(sx, zs[b], 0.0)))

            def _fast(_):
                return (idx0, cx0, cy0, cz0)

            idx, cxn, cyn, czn = lax.cond(cnt > 1.0, _tie, _fast, 0)
            out_ref[b, pl.ds(t, 1), :] = jnp.reshape(idx, (1, 1))
            nd.append(db)
            ncs.append((cxn, cyn, czn))
        return (tuple(nd), tuple(ncs))

    lax.fori_loop(1, m, step, (tuple(dists0), tuple(cs0)), unroll=False)


def _fps_pallas(xyz, m):
    B, N, _ = xyz.shape
    n_rows = N // 128
    planes = jnp.transpose(xyz, (0, 2, 1)).reshape(B, 3, n_rows, 128)
    out = pl.pallas_call(
        functools.partial(_fps_body, m, n_rows, B),
        grid=(1,),
        in_specs=[pl.BlockSpec((B, 3, n_rows, 128), lambda i: (0, 0, 0, 0))],
        out_specs=pl.BlockSpec((B, m, 1), lambda i: (0, 0, 0)),
        out_shape=jax.ShapeDtypeStruct((B, m, 1), jnp.int32),
    )(planes)
    return out[:, :, 0]


def _bf16r(v):
    u = plsc.bitcast(v, jnp.uint32)
    r = (u + jnp.uint32(0x7FFF) + ((u >> jnp.uint32(16)) & jnp.uint32(1)))
    r = r & jnp.uint32(0xFFFF0000)
    return plsc.bitcast(r, jnp.float32)


def _lexless(av, ai, bv, bi):
    return (av < bv) | ((av == bv) & (ai <= bi))


def _merge32(cd, ci, lo, loi, hi, hii):
    cs, csi = plsc.sort_key_val(cd, ci)
    crev = lax.rev(cs, (0,))
    cirev = lax.rev(csi, (0,))
    t = _lexless(hi, hii, crev, cirev)
    h1 = jnp.where(t, hi, crev)
    h1i = jnp.where(t, hii, cirev)
    h1s, h1si = plsc.sort_key_val(h1, h1i)
    rh = lax.rev(h1s, (0,))
    rhi = lax.rev(h1si, (0,))
    t2 = _lexless(lo, loi, rh, rhi)
    a = jnp.where(t2, lo, rh)
    ai = jnp.where(t2, loi, rhi)
    b = jnp.where(t2, rh, lo)
    bi = jnp.where(t2, rhi, loi)
    lo2, loi2 = plsc.sort_key_val(a, ai)
    hi2, hii2 = plsc.sort_key_val(b, bi)
    return lo2, loi2, hi2, hii2


def _bq_body(N, m, B, D, radius, x_hbm, y_hbm, z_hbm, fidx_hbm, table_hbm,
             grouped_hbm, newxyz_hbm, x_v, y_v, z_v, s2_v, xb_v, yb_v, zb_v,
             cand_d_v, cand_i_v, fidx_v, idx_v, rows_v, nx_v, sem):
    spb = 32 // B
    per_w = m // spb
    wid = lax.axis_index("s") * 2 + lax.axis_index("c")
    batch = wid // spb
    qbase = (wid % spb) * per_w
    r2 = np.float32(radius * radius)
    lane = lax.iota(jnp.int32, 16)

    pltpu.sync_copy(x_hbm.at[batch], x_v)
    pltpu.sync_copy(y_hbm.at[batch], y_v)
    pltpu.sync_copy(z_hbm.at[batch], z_v)
    pltpu.sync_copy(fidx_hbm.at[batch], fidx_v)

    def s2_step(c, _):
        sl = pl.ds(c * 16, 16)
        xv = x_v[sl]
        yv = y_v[sl]
        zv = z_v[sl]
        s2_v[sl] = xv * xv + yv * yv + zv * zv
        xb_v[sl] = _bf16r(xv)
        yb_v[sl] = _bf16r(yv)
        zb_v[sl] = _bf16r(zv)
        return 0

    lax.fori_loop(0, N // 16, s2_step, 0, unroll=False)

    divv = jnp.where(lane < 3, np.float32(radius), np.float32(1.0))

    def q_step(q, _):
        qi = qbase + q
        fv = fidx_v[pl.ds((qi // 16) * 16, 16)]
        fi = jnp.max(jnp.where(lane == (qi % 16), fv.astype(jnp.float32), 0.0)).astype(jnp.int32)
        fsp = jnp.broadcast_to(fi, (16,))
        qx = plsc.load_gather(x_v, [fsp])
        qy = plsc.load_gather(y_v, [fsp])
        qz = plsc.load_gather(z_v, [fsp])
        q2 = qx * qx + qy * qy + qz * qz
        qxb = _bf16r(qx)
        qyb = _bf16r(qy)
        qzb = _bf16r(qz)

        def a_step(c, carry):
            base, ci = carry
            sl = pl.ds(c * 16, 16)
            xv = xb_v[sl]
            yv = yb_v[sl]
            zv = zb_v[sl]
            s2v = s2_v[sl]
            s = (xv * qxb + yv * qyb) + zv * qzb
            d2 = (q2 + s2v) - 2.0 * s
            mask = d2 <= r2
            plsc.store_compressed(cand_d_v.at[pl.ds(base, 16)], d2, mask=mask)
            plsc.store_compressed(cand_i_v.at[pl.ds(base, 16)], ci, mask=mask)
            cnt = plsc.all_reduce_population_count(mask)[0]
            return (base + cnt, ci + 16)

        zi16 = jnp.zeros((16,), jnp.int32)
        kn, _ = lax.fori_loop(0, N // 16, a_step, (0, lane),
                              unroll=False)
        ksp = jnp.broadcast_to(kn, (16,))

        def b_step(k, carry):
            lo, loi, hi, hii = carry
            sl = pl.ds(k * 16, 16)
            cd = cand_d_v[sl]
            cidx = cand_i_v[sl]
            posl = k * 16 + lane
            cd = jnp.where(posl < ksp, cd, _INF)
            return _merge32(cd, cidx, lo, loi, hi, hii)

        inf16 = jnp.full((16,), _INF, jnp.float32)
        lo, loi, hi, hii = lax.fori_loop(
            0, (kn + 15) // 16, b_step, (inf16, zi16, inf16, zi16),
            unroll=False)

        best = jnp.broadcast_to(jnp.max(jnp.where(lane == 0, loi.astype(jnp.float32), 0.0)).astype(jnp.int32), (16,))
        loi = jnp.where(lo == _INF, best, loi)
        hii = jnp.where(hi == _INF, best, hii)
        off = batch * N
        idx_v[pl.ds(0, 16)] = loi + off
        idx_v[pl.ds(16, 16)] = hii + off

        pltpu.async_copy(table_hbm.at[idx_v], rows_v, sem).wait()

        qfull = jnp.where(lane == 0, qx,
                          jnp.where(lane == 1, qy,
                                    jnp.where(lane == 2, qz,
                                              np.float32(0.0))))

        def dp_step(j, _):
            v = rows_v[j, pl.ds(0, 16)]
            rows_v[j, pl.ds(0, 16)] = (v - qfull) / divv
            return 0

        lax.fori_loop(0, _NS, dp_step, 0, unroll=False)

        qflat = batch * m + qi
        nx_v[pl.ds(0, 16)] = qfull
        pltpu.sync_copy(nx_v, newxyz_hbm.at[qflat])
        pltpu.sync_copy(rows_v, grouped_hbm.at[pl.ds(qflat * _NS, _NS)])
        return 0

    lax.fori_loop(0, per_w, q_step, 0, unroll=False)


def _ballquery_sc(xp, yp, zp, fidx, table, N, m, B, D, radius,
                  interpret=False):
    mesh = plsc.VectorSubcoreMesh(core_axis_name="c", subcore_axis_name="s",
                                  num_cores=2, num_subcores=16)
    f = pl.kernel(
        functools.partial(_bq_body, N, m, B, D, radius),
        out_type=[
            jax.ShapeDtypeStruct((B * m * _NS, D), jnp.float32),
            jax.ShapeDtypeStruct((B * m, 16), jnp.float32),
        ],
        mesh=mesh,
        scratch_types=[
            pltpu.VMEM((N,), jnp.float32),
            pltpu.VMEM((N,), jnp.float32),
            pltpu.VMEM((N,), jnp.float32),
            pltpu.VMEM((N,), jnp.float32),
            pltpu.VMEM((N,), jnp.float32),
            pltpu.VMEM((N,), jnp.float32),
            pltpu.VMEM((N,), jnp.float32),
            pltpu.VMEM((N,), jnp.float32),
            pltpu.VMEM((N,), jnp.int32),
            pltpu.VMEM((m,), jnp.int32),
            pltpu.VMEM((_NS,), jnp.int32),
            pltpu.VMEM((_NS, D), jnp.float32),
            pltpu.VMEM((16,), jnp.float32),
            pltpu.SemaphoreType.DMA,
        ],
        compiler_params=pltpu.CompilerParams(needs_layout_passes=False,
                                             use_tc_tiling_on_sc=False),
        interpret=interpret,
    )
    return f(xp, yp, zp, fidx, table)


def _stem_body(pts_ref, w_ref, b_ref, out_ref):
    h = jnp.dot(pts_ref[...], w_ref[...],
                preferred_element_type=jnp.float32)
    out_ref[...] = jax.nn.relu(h + b_ref[...])


def _stem_pallas(points, w, b):
    B, N, _ = points.shape
    rows = points.reshape(B * N, 3)
    blk = 4096
    out = pl.pallas_call(
        _stem_body,
        grid=(B * N // blk,),
        in_specs=[
            pl.BlockSpec((blk, 3), lambda i: (i, 0)),
            pl.BlockSpec((3, 32), lambda i: (0, 0)),
            pl.BlockSpec((1, 32), lambda i: (0, 0)),
        ],
        out_specs=pl.BlockSpec((blk, 32), lambda i: (i, 0)),
        out_shape=jax.ShapeDtypeStruct((B * N, 32), jnp.float32),
    )(rows, w, b.reshape(1, 32))
    return out.reshape(B, N, 32)


def _mlp_body(nq, cout, rows_ref, w_ref, b_ref, out_ref):
    h = jnp.dot(rows_ref[...], w_ref[...],
                preferred_element_type=jnp.float32)
    h = jax.nn.relu(h + b_ref[...])
    out_ref[...] = jnp.max(h.reshape(nq, _NS, cout), axis=1)


def _mlp_pallas(grouped, w_pad, bvec, nq_total, cout):
    D = grouped.shape[1]
    nq = min(256, nq_total)
    out = pl.pallas_call(
        functools.partial(_mlp_body, nq, cout),
        grid=(nq_total // nq,),
        in_specs=[
            pl.BlockSpec((nq * _NS, D), lambda i: (i, 0)),
            pl.BlockSpec((D, cout), lambda i: (0, 0)),
            pl.BlockSpec((1, cout), lambda i: (0, 0)),
        ],
        out_specs=pl.BlockSpec((nq, cout), lambda i: (i, 0)),
        out_shape=jax.ShapeDtypeStruct((nq_total, cout), jnp.float32),
    )(grouped, w_pad, bvec.reshape(1, cout))
    return out


def _pad16(c):
    return (c + 15) // 16 * 16


def _sa_stage(xyz, feats, stride, radius, W, b):
    B, N, _ = xyz.shape
    m = N // stride
    C = feats.shape[-1]
    D = _pad16(3 + C)
    cout = W.shape[1]

    fidx = _fps_pallas(xyz, m)

    planes = jnp.transpose(xyz, (0, 2, 1))
    table = jnp.concatenate(
        [xyz, feats, jnp.zeros((B, N, D - 3 - C), jnp.float32)], axis=-1
    ).reshape(B * N, D)

    grouped, newxyz = _ballquery_sc(
        planes[:, 0], planes[:, 1], planes[:, 2], fidx, table,
        N, m, B, D, radius)

    w_pad = jnp.concatenate(
        [W, jnp.zeros((D - 3 - C, cout), jnp.float32)], axis=0)
    f_out = _mlp_pallas(grouped, w_pad, b, B * m, cout)

    new_xyz = newxyz.reshape(B, m, 16)[..., :3]
    return new_xyz, f_out.reshape(B, m, cout)


def kernel(points, stem_w, stem_b, w1, b1, w2, b2, w3, b3, w4, b4):
    xyz = points[..., :3]
    f = _stem_pallas(points, stem_w, stem_b)
    for (W, b), s, r in zip(
        [(w1, b1), (w2, b2), (w3, b3), (w4, b4)], _STRIDES, _RADII
    ):
        xyz, f = _sa_stage(xyz, f, s, r, W, b)
    return xyz, jnp.transpose(f, (0, 2, 1))

# --- scband reference (transcript-rebuilt; emitter-appended) ---
"""Pipeline reference for scband-point-next-backbone-12816182411308 (READ-ONLY COPY).

The authoritative reference and input builder live on the scoring server;
editing this copy changes nothing except your own understanding.
"""

import jax, jax.numpy as jnp
import numpy as np

STRIDES = [4, 4, 4, 4]
RADII = [0.1, 0.2, 0.4, 0.8]
NSAMPLE = 32

def setup_inputs(seed: int = 0):
    key = jax.random.key(seed)
    ks = jax.random.split(key, 8)
    B, N = 4, 8192
    def w(k, shape):
        return jax.random.normal(k, shape, dtype=jnp.float32) * 0.05
    return {
        'points': jax.random.uniform(ks[0], (B, N, 3), dtype=jnp.float32),
        'stem_w': w(ks[1], (3, 32)), 'stem_b': jnp.zeros((32,), jnp.float32),
        'w1': w(ks[2], (35, 64)), 'b1': jnp.zeros((64,), jnp.float32),
        'w2': w(ks[3], (67, 128)), 'b2': jnp.zeros((128,), jnp.float32),
        'w3': w(ks[4], (131, 256)), 'b3': jnp.zeros((256,), jnp.float32),
        'w4': w(ks[5], (259, 512)), 'b4': jnp.zeros((512,), jnp.float32),
    }

def _bgather(x, idx):
    return jax.vmap(lambda a, i: a[i])(x, idx)

def _fps(xyz, m):
    # farthest point sampling (same algorithm as pointnet2_utils.furthest_point_sample)
    B, N, _ = xyz.shape
    d0 = jnp.full((B, N), 1e10, dtype=xyz.dtype)
    far0 = jnp.zeros((B,), jnp.int32)
    def step(carry, _):
        dists, far = carry
        centroid = _bgather(xyz, far)[:, None, :]
        d = jnp.sum((xyz - centroid) ** 2, -1)
        dists = jnp.minimum(dists, d)
        nxt = jnp.argmax(dists, -1).astype(jnp.int32)
        return (dists, nxt), far
    _, idxs = jax.lax.scan(step, (d0, far0), None, length=m)
    return jnp.transpose(idxs)

def _pairwise_d2(q, s):
    return jnp.sum(q * q, -1)[:, :, None] + jnp.sum(s * s, -1)[:, None, :] - 2.0 * jnp.einsum('bmd,bnd->bmn', q, s)

def _sa_stage(xyz, feats, stride, radius, W, b):
    # SetAbstraction: FPS downsample + ball-query grouping (feature_type dp_fj) + MLP + max reduce
    B, N, _ = xyz.shape
    m = N // stride
    fidx = _fps(jax.lax.stop_gradient(xyz), m)
    new_xyz = _bgather(xyz, fidx)
    d2 = _pairwise_d2(jax.lax.stop_gradient(new_xyz), jax.lax.stop_gradient(xyz))
    d2m = jnp.where(d2 <= radius * radius, d2, jnp.inf)
    neg, nidx = jax.lax.top_k(-d2m, NSAMPLE)
    # ball query semantics: pad out-of-radius slots with the closest (self) point
    nidx = jnp.where(jnp.isfinite(neg), nidx, nidx[..., :1])
    flat = nidx.reshape(B, -1)
    g_xyz = _bgather(xyz, flat).reshape(B, m, NSAMPLE, 3)
    g_f = _bgather(feats, flat).reshape(B, m, NSAMPLE, feats.shape[-1])
    dp = (g_xyz - new_xyz[:, :, None, :]) / radius  # normalize_xyz=True
    h = jnp.concatenate([dp, g_f], axis=-1)
    h = jax.nn.relu(h @ W + b)
    return new_xyz, jnp.max(h, axis=2)

def reference(points, stem_w, stem_b, w1, b1, w2, b2, w3, b3, w4, b4):
    xyz = points[..., :3]
    # stage 0 (stride 1): pointwise MLP stem, in_channels=3 -> width=32
    f = jax.nn.relu(points @ stem_w + stem_b)
    for (W, b), s, r in zip([(w1, b1), (w2, b2), (w3, b3), (w4, b4)], STRIDES, RADII):
        xyz, f = _sa_stage(xyz, f, s, r, W, b)
    # final count (32) == num_tokens, so _fps_sample returns all points;
    # encoder_out_dim (512) == out_dim so output_projection is Identity
    return xyz, jnp.transpose(f, (0, 2, 1))

if __name__ == "__main__":
    import jax
    _d = setup_inputs()
    print(jax.jit(kernel)(*tuple(_d.values())))

</pallas_src>

<mosaic_0001>
module attributes {stable_mosaic.version = 14 : i64} {
  func.func @_stem_body(%arg0: i32, %arg1: memref<4096x3xf32, #tpu.memory_space<vmem>>, %arg2: memref<3x32xf32, #tpu.memory_space<vmem>>, %arg3: memref<1x32xf32, #tpu.memory_space<vmem>>, %arg4: memref<4096x32xf32, #tpu.memory_space<vmem>>) attributes {dimension_semantics = [#tpu.dimension_semantics<arbitrary>], iteration_bounds = array<i64: 8>, scalar_prefetch = 0 : i64, scratch_operands = 0 : i64, tpu.core_type = #tpu.core_type<tc>, window_params = [{transform_indices = @transform_0, window_bounds = array<i64: 4096, 3>}, {pipeline_mode = #tpu.pipeline_mode<synchronous>, transform_indices = @transform_1, window_bounds = array<i64: 3, 32>}, {pipeline_mode = #tpu.pipeline_mode<synchronous>, transform_indices = @transform_2, window_bounds = array<i64: 1, 32>}, {transform_indices = @transform_3, window_bounds = array<i64: 4096, 32>}]} {
    %get3A = arith.constant 0 : index
    %get3A_0 = arith.constant 0 : index
    %get3A_1 = vector.load %arg1[%get3A, %get3A_0] : memref<4096x3xf32, #tpu.memory_space<vmem>>, vector<4096x3xf32>
    %get3A_2 = arith.constant 0 : index
    %get3A_3 = arith.constant 0 : index
    %get3A_4 = vector.load %arg2[%get3A_2, %get3A_3] : memref<3x32xf32, #tpu.memory_space<vmem>>, vector<3x32xf32>
    %dot_general3A = arith.constant dense<0.000000e+00> : vector<4096x32xf32>
    %dot_general3A_5 = tpu.matmul %get3A_1, %get3A_4, %dot_general3A {dimension_numbers = #tpu.dot_dimension_numbers<[1], [0], [0], [1], [0, 0, 1, 1], [], []>, transpose_lhs_hint = false} : vector<4096x3xf32>, vector<3x32xf32>, vector<4096x32xf32> -> vector<4096x32xf32>
    %get3A_6 = arith.constant 0 : index
    %get3A_7 = arith.constant 0 : index
    %get3A_8 = vector.load %arg3[%get3A_6, %get3A_7] : memref<1x32xf32, #tpu.memory_space<vmem>>, vector<1x32xf32>
    %add3A = vector.broadcast %get3A_8 : vector<1x32xf32> to vector<4096x32xf32>
    %add3A_9 = arith.addf %dot_general3A_5, %add3A : vector<4096x32xf32>
    %max3A = arith.constant 0.000000e+00 : f32
    %max3A_10 = vector.broadcast %max3A : f32 to vector<4096x32xf32>
    %max3A_11 = arith.maximumf %add3A_9, %max3A_10 : vector<4096x32xf32>
    %swap3A = arith.constant 0 : index
    %swap3A_12 = arith.constant 0 : index
    %swap3A_13 = vector.load %arg4[%swap3A, %swap3A_12] : memref<4096x32xf32, #tpu.memory_space<vmem>>, vector<4096x32xf32>
    tpu.vector_store %arg4[%swap3A, %swap3A_12], %max3A_11 {strides = array<i32>} : memref<4096x32xf32, #tpu.memory_space<vmem>>, vector<4096x32xf32>,
    return
  }
  func.func @transform_0(%arg0: i32) -> (i32, i32) {
    %c0_i32 = arith.constant 0 : i32
    %c0_i32_0 = arith.constant 0 : i32
    return %arg0, %c0_i32 : i32, i32
  }
  func.func @transform_1(%arg0: i32) -> (i32, i32) {
    %c0_i32 = arith.constant 0 : i32
    %c0_i32_0 = arith.constant 0 : i32
    %c0_i32_1 = arith.constant 0 : i32
    return %c0_i32, %c0_i32_0 : i32, i32
  }
  func.func @transform_2(%arg0: i32) -> (i32, i32) {
    %c0_i32 = arith.constant 0 : i32
    %c0_i32_0 = arith.constant 0 : i32
    %c0_i32_1 = arith.constant 0 : i32
    return %c0_i32, %c0_i32_0 : i32, i32
  }
  func.func @transform_3(%arg0: i32) -> (i32, i32) {
    %c0_i32 = arith.constant 0 : i32
    %c0_i32_0 = arith.constant 0 : i32
    return %arg0, %c0_i32 : i32, i32
  }
}

</mosaic_0001>

<sc_bundles>
// kernel: gather_offload_async_start.1
scs
__scs_entry_jumppad:
0x0: {  	(pc) =	sbr.rel $0x88, $3  }
0x1: {  	(tag) =	ssettag $0x0;
	lr =	simm.s32 $0x1  }
0x2: {  	[smem:$0x3F96] =	sst lr;
	_ =	strace $0xD0000000  }
0x3: {  	_ = 	snop  }
0x4: {  	_ = 	snop  }
0x5: {  	_ = 	snop  }
0x6: {  	_ = 	snop  }
0x7: {  	_ = 	snop  }
__scs_overlays_trampoline_lowered:
0x8: {  	[smem:$0x3FA5] =	sst s0  }
0x9: {  	[smem:$0x3FA6] =	sst s1  }
0xa: {  	[smem:$0x3FA7] =	sst s2  }
0xb: {  	[smem:$0x3FA8] =	sst s3  }
0xc: {  	[smem:$0x3FA9] =	sst s4  }
0xd: {  	[smem:$0x3FAA] =	sst s5  }
0xe: {  	[smem:$0x3FAB] =	sst s6  }
0xf: {  	[smem:$0x3FAC] =	sst s7  }
0x10: {  	[smem:$0x3FAD] =	sst s8  }
0x11: {  	[smem:$0x3FAE] =	sst s9;
	s0 =	simm.s32 @!p0 $0x0  }
0x12: {  	s1 =	sld [smem:$0x3F94];
	s0 =	simm.s32 @p0 $0x1  }
0x13: {  	[smem:$0x3FAF] =	sst s0;
	s0 =	simm.s32 @!p1 $0x0  }
0x14: {  	s2 =	sld [smem:$0x3F93];
	s0 =	simm.s32 @p1 $0x1  }
0x15: {  	[smem:$0x3FB0] =	sst s0;
	s0 =	simm.s32 @!p2 $0x0  }
0x16: {  	s3 =	sld [smem:$0x3FDB];
	s0 =	simm.s32 @p2 $0x1  }
0x17: {  	s4 =	simm.s32 $0x1BF5;
	[smem:$0x3FB2] =	sst s0  }
0x18: {  	s0 =	sld [smem:$0x3F95];
	_ =	swait.ge [sflag:s4], $0x0  }
0x19: {  	s7 =	sld [smem:$0x3F96]  }
0x1a: {  	s8 =	sadd.s32 $0xFFFFE003, lr  }
0x1b: {  	s9 =	sadd.s32 $0xFFFFFEF7, lr;
	s5 =	simm.s32 $0xFFFFFFFF;
	p2 =	slt.u32 s8, $0xFFFFF086  }
0x1c: {  	p1 =	slt.u32 s9, $0xF7A;
	s5 =	simm.s32 @!p2 $0x0  }
0x1d: {  	s5 =	simm.s32 @p1 $0x1;
	p0 =	seq.s32 s7, s2  }
0x1e: {  	s7 =	smul.u32 @!p0 $0xF7A, s2;
	p2 =	seq.s32 @!p0 s5, $0x0  }
0x1f: {  	s9 =	smul.u32 $0xF7A, s1;
	s8 =	simm.s32 @!p0 $0x1BF5;
	p2 =	por !p2, p0  }
0x20: {  	[sflag:s8] =	ssyncset.s32 @!p0 $0xFFFFF086;
	s6 =	sadd.s32 @!p0 s3, s7;
	s7 =	simm.s32 @!p0 $0x108  }
0x21: {  	s3 =	sadd.s32 s3, s9;
	s6 =	sadd.s32 @!p0 $0x88, s6;
	s7 =	simm.s32 @p2 $0x1082  }
0x22: {  	[simem:s7], [sflag:s8] =	dma.local @!p0 [hbm:s6], $0xF7A  }
0x23: {  	s9 =	sor.u32 $0xD0000000, s2;
	s6 =	simm.s32 $0x108;
	_ =	swait.ge @!p0 [sflag:s8], $0x0  }
0x24: {  	s3 =	sadd.s32 $0x88, s3;
	s6 =	simm.s32 @!p1 $0x1082;
	[sflag:s4] =	ssyncset.s32 $0xFFFFF086  }
0x25: {  	[simem:s6], [sflag:s4] =	dma.local [hbm:s3], $0xF7A  }
0x26: {  	[smem:$0x3F96] =	sst s1;
	(tag) =	ssettag s2;
	_ =	strace s9  }
0x27: {  	s1 =	sld [smem:$0x3FA6]  }
0x28: {  	s2 =	sld [smem:$0x3FA7]  }
0x29: {  	s4 =	sld [smem:$0x3FA9]  }
0x2a: {  	p0 =	seq.s32 s5, $0x0;
	s5 =	sld [smem:$0x3FAA]  }
0x2b: {  	s6 =	sld [smem:$0x3FAB]  }
0x2c: {  	s7 =	sld [smem:$0x3FAC]  }
0x2d: {  	s3 =	simm.s32 $0x108;
	s8 =	sld [smem:$0x3FAD]  }
0x2e: {  	s3 =	simm.s32 @!p0 $0x1082;
	s9 =	sld [smem:$0x3FAE]  }
0x2f: {  	lr =	sadd.s32 s0, s3;
	s0 =	sld [smem:$0x3FA5]  }
0x30: {  	s3 =	sld [smem:$0x3FA8]  }
0x31: {  	[smem:$0x3FB1] =	sst s10  }
0x32: {  	s10 =	sld [smem:$0x3FAF];
	_ =	sdelay $0x3  }
0x33: {  	p0 =	seq.s32 s10, $0x1;
	s10 =	sld [smem:$0x3FB1];
	_ =	sdelay $0x3  }
0x34: {  	[smem:$0x3FB1] =	sst s10  }
0x35: {  	s10 =	sld [smem:$0x3FB0];
	_ =	sdelay $0x3  }
0x36: {  	p1 =	seq.s32 s10, $0x1;
	s10 =	sld [smem:$0x3FB1];
	_ =	sdelay $0x3  }
0x37: {  	[smem:$0x3FB1] =	sst s10  }
0x38: {  	s10 =	sld [smem:$0x3FB2]  }
0x39: {  	_ = 	snop;
	(pc) =	sbr.ind lr, $3  }
0x3a: {  	_ = 	snop  }
0x3b: {  	_ = 	snop  }
0x3c: {  	p2 =	seq.s32 s10, $0x1;
	s10 =	sld [smem:$0x3FB1]  }
0x3d: {  	_ =	shalt  }
0x3e: {  	_ =	shalt  }
0x3f: {  	_ =	shalt  }
0x40: {  	_ =	shalt  }
0x41: {  	_ =	shalt  }
0x42: {  	_ =	shalt  }
0x43: {  	_ =	shalt  }
0x44: {  	_ =	shalt  }
0x45: {  	_ =	shalt  }
0x46: {  	_ =	shalt  }
0x47: {  	_ =	shalt  }
0x48: {  	_ =	shalt  }
0x49: {  	_ =	shalt  }
0x4a: {  	_ =	shalt  }
0x4b: {  	_ =	shalt  }
0x4c: {  	_ =	shalt  }
0x4d: {  	_ =	shalt  }
0x4e: {  	_ =	shalt  }
0x4f: {  	_ =	shalt  }
0x50: {  	_ =	shalt  }
0x51: {  	_ =	shalt  }
0x52: {  	_ =	shalt  }
0x53: {  	_ =	shalt  }
0x54: {  	_ =	shalt  }
0x55: {  	_ =	shalt  }
0x56: {  	_ =	shalt  }
0x57: {  	_ =	shalt  }
0x58: {  	_ =	shalt  }
0x59: {  	_ =	shalt  }
0x5a: {  	_ =	shalt  }
0x5b: {  	_ =	shalt  }
0x5c: {  	_ =	shalt  }
0x5d: {  	_ =	shalt  }
0x5e: {  	_ =	shalt  }
0x5f: {  	_ =	shalt  }
0x60: {  	_ =	shalt  }
0x61: {  	_ =	shalt  }
0x62: {  	_ =	shalt  }
0x63: {  	_ =	shalt  }
0x64: {  	_ =	shalt  }
0x65: {  	_ =	shalt  }
0x66: {  	_ =	shalt  }
0x67: {  	_ =	shalt  }
0x68: {  	_ =	shalt  }
0x69: {  	_ =	shalt  }
0x6a: {  	_ =	shalt  }
0x6b: {  	_ =	shalt  }
0x6c: {  	_ =	shalt  }
0x6d: {  	_ =	shalt  }
0x6e: {  	_ =	shalt  }
0x6f: {  	_ =	shalt  }
0x70: {  	_ =	shalt  }
0x71: {  	_ =	shalt  }
0x72: {  	_ =	shalt  }
0x73: {  	_ =	shalt  }
0x74: {  	_ =	shalt  }
0x75: {  	_ =	shalt  }
0x76: {  	_ =	shalt  }
0x77: {  	_ =	shalt  }
0x78: {  	_ =	shalt  }
0x79: {  	_ =	shalt  }
0x7a: {  	_ =	shalt  }
0x7b: {  	_ =	shalt  }
0x7c: {  	_ =	shalt  }
0x7d: {  	_ =	shalt  }
0x7e: {  	_ =	shalt  }
0x7f: {  	_ =	shalt  }
0x80: {  	_ =	shalt  }
0x81: {  	_ =	shalt  }
0x82: {  	_ =	shalt  }
0x83: {  	_ =	shalt  }
0x84: {  	_ =	shalt  }
0x85: {  	_ =	shalt  }
0x86: {  	_ =	shalt  }
0x87: {  	_ =	shalt  }
.Lfunc_end0:
.L_simem_size_0:
called_computation.2_lowered:
.L_overlay_start_0:
0x88: {  	s2 =	sld [smem:$0x3FD9]  }
0x89: {  	s3 =	sld [smem:$0x3FFE];
	_ =	sdelay $0x1  }
0x8a: {  	s1 =	srdreg.scid  }
0x8b: {  	s0 =	sand.u32 $0x1, s1  }
0x8c: {  	s16 =	sshll.u32 s0, $0xA;
	s2 =	sadd.s32 s3, s2  }
0x8d: {  	s2 =	sadd.s32 s2, s16  }
0x8e: {  	[smem:$0x3FBD] =	sst s2  }
0x8f: {  	_ = 	snop  }
0x90: {  	(tm) =	ssettm $0x1  }
0x91: {  	s17 =	sld [smem:$0x3FFB];
	_ =	sdelay $0x3  }
0x92: {  	_ =	strace s17  }
0x93: {  	s2 =	sld [smem:$0x3FFC];
	_ =	sdelay $0x3  }
0x94: {  	_ =	strace s2  }
0x95: {  	s2 =	sld [smem:$0x3FFD];
	_ =	sdelay $0x3  }
0x96: {  	_ =	strace s2  }
0x97: {  	_ =	strace $0x8FFFFFFF  }
0x98: {  	s18 =	sld [smem:$0x3FDB];
	_ =	sdelay $0x1  }
0x99: {  	s19 =	simm.s32 $_scs_section_size  }
0x9a: {  	s4 =	simm.s32 $_size__tile_overlayer_lowered;
	s5 =	simm.s32 $_tile_overlayer_lowered  }
0x9b: {  	s22 =	simm.s32 $0x1BFF;
	s21 =	sshll.u32 s5, $0x1;
	s2 =	sadd.s32 s19, s18  }
0x9c: {  	s6 =	simm.s32 $0x0;
	s20 =	sshll.u32 s4, $0x1;
	s4 =	sadd.s32 s21, s2  }
0x9d: {  	[timem:s6], [sflag:s22] =	dma.local [hbm:s4], s20  }
0x9e: {  	_ =	swait.ge [sflag:s22], s20  }
0x9f: {  	s3 =	ssub.s32 $0x0, s20;
	[sflag:s22] =	ssyncset.done $0x0  }
0xa0: {  	[sflag:s22] =	ssyncadd.s32 s3;
	_ =	sdelay $0x1  }
0xa1: {  	s23 =	simm.s32 $0x1B8B  }
0xa2: {  	_ =	swait.ge [sflag:s23], $0x1  }
0xa3: {  	[sflag:s23] =	ssyncset.done $0x0  }
0xa4: {  	s25 =	simm.s32 $0x1B8E;
	s24 =	sld [smem:$0x3FFE];
	[sflag:s23] =	ssyncadd.s32 $0xFFFFFFFF  }
0xa5: {  	s26 =	simm.s32 $execute0_lowered;
	[smem:$0x3FD2] =	sst s25  }
0xa6: {  	s4 =	sshll.u32 s26, $0x1;
	_ =	strace $0x80000049;
	[dreg:$0x1] =	wrdreg $0xFFFFFFFF  }
0xa7: {  	s28 =	simm.s32 $_size_execute0_lowered;
	s2 =	sadd.s32 s2, s4;
	[dreg:$0x0] =	wrdreg $0x0  }
0xa8: {  	s4 =	sshll.u32 s28, $0x1;
	[dreg:$0x2] =	wrdreg s2  }
0xa9: {  	[dreg:$0x3] =	wrdreg s4  }
0xaa: {  	[dreg:$0x4] =	wrdreg $0xC0  }
0xab: {  	_ =	task [dreg:s6], $0x5FFFF  }
0xac: {  	[dreg:$0x1] =	wrdreg $0xFFFFFFFF  }
0xad: {  	[dreg:$0x0] =	wrdreg $0x60  }
0xae: {  	[dreg:$0x2] =	wrdreg s24  }
0xaf: {  	[dreg:$0x3] =	wrdreg $0xA  }
0xb0: {  	_ =	task.clear_ibuf [dreg:s6], $0x4FFFF;
	_ =	strace $0x90000049  }
0xb1: {  	s29 =	simm.s32 $0xA;
	_ =	strace $0x8000004B  }
0xb2: {  	_ =	swait.ge [sflag:s29], $0x1  }
0xb3: {  	[sflag:s29] =	ssyncadd.s32 $0xFFFFFFFF  }
0xb4: {  	_ =	strace $0x9000004B  }
0xb5: {  	_ =	sfence  }
0xb6: {  	s30 =	sld [smem:$0x0];
	_ =	sdelay $0x2  }
0xb7: {  	s31 =	sshll.u32 s1, $0xD;
	s1 =	sshrl.u32 s1, $0x2  }
0xb8: {  	s3 =	sand.u32 $0x4000, s31;
	s1 =	sadd.s32 s1, s30  }
0xb9: {  	s0 =	sor.u32 s3, s0;
	s1 =	sshll.u32 s1, $0x11  }
0xba: {  	s0 =	sor.u32 s1, s0  }
0xbb: {  	s0 =	sadd.s32 $0x8F2B, s0  }
0xbc: {  	[sflag:s0] =	ssyncadd.remote.s32 $0x1  }
0xbd: {  	_ =	sfence.sel $0xFFFF  }
0xbe: {  	[dreg:$0x0] =	wrdreg $0xFFFFFFFF;
	(pc) =	sbr.abs _section_cstart, $3  }
0xbf: {  	[dreg:$0x1] =	wrdreg $0xFFFFFFFF  }
0xc0: {  	_ =	task.clear_ibuf [dreg:s6], $0x2FFFF;
	_ =	strace $0x9FFFFFFF  }
0xc1: {  	(tm) =	ssettm $0x7FFFFFFF  }
tec
execute0_lowered:
.L_overlay_start_1:
0x0: {  	(tag) =	ssettag $0x1  }
0x1: {  	s7 =	rddreg [dreg:$0x0]  }
0x2: {  	s0 =	rddreg [dreg:$0x1];
	_ =	strace $0x8000004A  }
0x3: {  	s1 =	srdreg.scid;
	s4 =	simm.s32 $0x1;
	s9 =	simm.s32 $0x3  }
0x4: {  	s12 =	simm.s32 $0x0;
	s10 =	simm.s32 $0x0;
	s5 =	sshll.u32 s1, $0x4  }
.Ltmp0:
0x5: {  	s1 =	stileid.u32;
	s5 =	sand.u32 $0x10, s5;
	(pc) =	sbr.rel .LBB2_1-.Ltmp0, $4  }
0x6: {  	s2 =	sadd.s32 $0x100600, s7;
	s3 =	sadd.s32 $0x1A1000, s7;
	s6 =	sor.u32 s1, s5  }
0x7: {  	[sflag:s4] =	ssyncpa.u1 $0x0;
	s5 =	simm.s32 $0x2;
	s6 =	sshll.u32 s6, $0x6  }
0x8: {  	s7 =	sadd.s32 $0x1A1200, s7;
	[sflag:s5] =	ssyncpa.u1 $0x0;
	s8 =	sadd.s32 $0x40, s6  }
0x9: {  	vm0 =	vmmov $0xff;
	vm1 =	vcmask $0x3F20;
	[sflag:s9] =	ssyncpa.u1 $0x0;
	s9 =	simm.s32 $0x40;
	s11 =	smov.u32 s6  }
.LBB2_9:
0xa: {  	p0 =	seq.s32 s10, $0x2  }
.Ltmp1:
0xb: {  	_ = 	snop;
	(pc) =	sbr.rel @p0 .LBB2_11-.Ltmp1, $1  }
0xc: {  	_ =	sdelay $0x3  }
.LBB2_10:
0xd: {  	s12 =	sadd.s32 $0x40, s11  }
0xe: {  	s13 =	smov.u32 s6;
	p0 =	slt.s32 s12, s8  }
0xf: {  	s13 =	smov.u32 @p0 s12  }
0x10: {  	s10 =	sadd.s32 $0x1, s10;
	s12 =	smov.u32 s11;
	s11 =	smov.u32 s13  }
.LBB2_1:
0x11: {  	p0 =	sne.s32 s10, $0x0  }
.Ltmp2:
0x12: {  	_ = 	snop;
	(pc) =	sbr.rel @!p0 .LBB2_2-.Ltmp2, $1  }
0x13: {  	_ =	sdelay $0x3  }
0x14: {  	s13 =	sand.u32 $0x1, s10  }
0x15: {  	p0 =	seq.s32 s13, $0x0  }
.Ltmp3:
0x16: {  	_ = 	snop;
	(pc) =	sbr.rel @p0 .LBB2_9-.Ltmp3, $1  }
0x17: {  	_ =	sdelay $0x3  }
0x18: {  	_ =	swait.ge [sflag:s5], $0x40  }
0x19: {  	[sflag:s5] =	ssyncset.done $0x0  }
0x1a: {  	s13 =	simm.s32 $0x0;
	[sflag:s5] =	ssyncadd.s32 $0xFFFFFFC0  }
0x1b: {  	v0 =	vld.msk [tilespmem:s13+$0x40 ss:$0x1], $0xffff;
	_ =	sdelay $0x4  }
0x1c: {  	v1 =	vshll.u32 v0, $0x5  }
0x1d: {  	vm2 =	veq.s32 v0, $0x80000000;
	v0 =	vshll.u32 v0, $0x12;
	v1 =	vand.u32 $0x3FF80, v1  }
0x1e: {  	v0 =	vand.u32 $0xC0000, v0;
	v1 =	vsel vm2, $0xFFFFFF80, v1  }
0x1f: {  	v0 =	vsel vm2, $0xFFFC0000, v0;
	v2 =	vand.u32 $0xFFFFFC00, v1  }
0x20: {  	v1 =	vand.u32 $0x380, v1;
	v0 =	vadd.s32 v0, v2  }
0x21: {  	v0 =	vor.u32 v1, v0  }
0x22: {  	v0 =	vshrl.u32 v0, $0x3;
	_ =	sdelay $0x3  }
0x23: {  	s13 =	simm.s32 $0x2080  }
0x24: {  	[tilespmem:s13], [sflag:$0x1] =	stream.indirect_vreg.gather [hbm:s2], $0x80, v0, vm0, $0x38;
	[tilespmem:$0x4080] =	vst v63  }
0x25: {  	s14 =	simm.s32 $0x2480;
	s31 =	simm.s32 $0x10  }
0x26: {  	[tilespmem:s14], [sflag:$0x1] =	stream.indirect_vreg.gather [hbm:s2], $0x80, v0, vm1, $0x38;
	[tilespmem:$0x4080] =	vst v63  }
0x27: {  	s14 =	simm.s32 $0x80;
	v0 =	vld.msk [tilespmem:s31+$0x40 ss:$0x1], $0xffff  }
.LBB2_5:
0x28: {  	p0 =	sne.s32 s14, $0xC0;
	_ =	sdelay $0x4  }
0x29: {  	v1 =	vshll.u32 v0, $0x5  }
0x2a: {  	vm2 =	veq.s32 v0, $0x80000000;
	v0 =	vshll.u32 v0, $0x12;
	v1 =	vand.u32 $0x3FF80, v1  }
0x2b: {  	v0 =	vand.u32 $0xC0000, v0;
	v1 =	vsel vm2, $0xFFFFFF80, v1  }
0x2c: {  	v0 =	vsel vm2, $0xFFFC0000, v0;
	v2 =	vand.u32 $0xFFFFFC00, v1  }
0x2d: {  	v1 =	vand.u32 $0x380, v1;
	v0 =	vadd.s32 v0, v2  }
0x2e: {  	v0 =	vor.u32 v1, v0  }
0x2f: {  	v0 =	vshrl.u32 v0, $0x3;
	_ =	sdelay $0x3  }
.Ltmp4:
0x30: {  	s13 =	sadd.s32 $0x800, s13;
	(pc) =	sbr.rel @p0 .LBB2_5-.Ltmp4, $4  }
0x31: {  	[tilespmem:s13], [sflag:$0x1] =	stream.indirect_vreg.gather [hbm:s2], $0x80, v0, vm0, $0x38;
	[tilespmem:$0x4080] =	vst v63  }
0x32: {  	s15 =	sshra.s32 s14, $0x2;
	s16 =	sadd.s32 $0x400, s13  }
0x33: {  	[tilespmem:s16], [sflag:$0x1] =	stream.indirect_vreg.gather [hbm:s2], $0x80, v0, vm1, $0x38;
	[tilespmem:$0x4080] =	vst v63  }
0x34: {  	s14 =	sadd.s32 $0x40, s14;
	v0 =	vld.msk [tilespmem:s15+$0x40 ss:$0x1], $0xffff  }
0x35: {  	_ =	sdelay $0x3  }
0x36: {  	v1 =	vshll.u32 v0, $0x5  }
0x37: {  	vm2 =	veq.s32 v0, $0x80000000;
	v63 =	vshll.u32 v0, $0x12;
	v1 =	vand.u32 $0x3FF80, v1  }
0x38: {  	v0 =	vand.u32 $0xC0000, v63;
	v1 =	vsel vm2, $0xFFFFFF80, v1  }
0x39: {  	v0 =	vsel vm2, $0xFFFC0000, v0;
	v2 =	vand.u32 $0xFFFFFC00, v1  }
0x3a: {  	v1 =	vand.u32 $0x380, v1;
	v0 =	vadd.s32 v0, v2  }
0x3b: {  	v0 =	vor.u32 v1, v0  }
0x3c: {  	v0 =	vshrl.u32 v0, $0x3;
	_ =	sdelay $0x3  }
0x3d: {  	s13 =	sadd.s32 $0x800, s13  }
0x3e: {  	[tilespmem:s13], [sflag:$0x1] =	stream.indirect_vreg.gather [hbm:s2], $0x80, v0, vm0, $0x38;
	[tilespmem:$0x4080] =	vst v63  }
0x3f: {  	s13 =	sadd.s32 $0x400, s13  }
0x40: {  	[tilespmem:s13], [sflag:$0x1] =	stream.indirect_vreg.gather [hbm:s2], $0x80, v0, vm1, $0x38;
	[tilespmem:$0x4080] =	vst v63  }
0x41: {  	s12 =	sshll.u32 s12, $0x4;
	s14 =	simm.s32 $0x80;
	_ =	swait.ge [sflag:s4], $0x2000  }
0x42: {  	s15 =	simm.s32 $0x2480;
	s12 =	sadd.s32 s12, s7;
	[sflag:s4] =	ssyncset.done $0x0  }
0x43: {  	s16 =	sadd.s32 $0x0, s12;
	s13 =	simm.s32 $0x2080;
	[sflag:s4] =	ssyncadd.s32 $0xFFFFE000  }
.LBB2_7:
0x44: {  	[hbm:s16] =	stream.linear.scatter [tilespmem:s13], [sflag:$0x3], $0x400, $0x38;
	[tilespmem:$0x4080] =	vst v63  }
0x45: {  	s16 =	smov.u32 s14;
	s13 =	smov.u32 s15;
	p0 =	sne.s32 s14, $0x380  }
.Ltmp5:
0x46: {  	s14 =	sadd.s32 $0x80, s14;
	(pc) =	sbr.rel @p0 .LBB2_7-.Ltmp5, $2  }
0x47: {  	_ =	sdelay $0x2  }
0x48: {  	s15 =	sadd.s32 $0x400, s15;
	s16 =	sadd.s32 s16, s12  }
.Ltmp6:
0x49: {  	(pc) =	sbr.rel .LBB2_9-.Ltmp6, $2  }
0x4a: {  	_ =	sdelay $0x2  }
0x4b: {  	[hbm:s16] =	stream.linear.scatter [tilespmem:s13], [sflag:$0x3], $0x400, $0x38;
	[tilespmem:$0x4080] =	vst v63  }
.LBB2_2:
.Ltmp7:
0x4c: {  	(pc) =	sbr.rel .LBB2_10-.Ltmp7, $4  }
0x4d: {  	_ = 	snop  }
0x4e: {  	s12 =	sshrl.u32 s11, $0x3  }
0x4f: {  	s13 =	sand.u32 $0x7, s11;
	s12 =	sadd.s32 s3, s12  }
0x50: {  	[tilespmem:s9], [sflag:$0x2] =	stream.linear.gather [hbm4b:s12+s13], $0x40, $0x38;
	[tilespmem:$0x4080] =	vst v63  }
.LBB2_11:
0x51: {  	s2 =	simm.s32 $0x3  }
0x52: {  	_ =	swait.ge [sflag:s2], $0x2000  }
0x53: {  	[sflag:s2] =	ssyncset.done $0x0  }
0x54: {  	[sflag:s2] =	ssyncadd.s32 $0xFFFFE000  }
0x55: {  	_ =	sfence.sel $0x180000  }
0x56: {  	s3 =	simm.s32 $0x2;
	[bflag:$0x0] =	sbarrier.arrive $0xFFFF  }
0x57: {  	[sflag:s3] =	ssyncpa.u1 $0x1  }
0x58: {  	s31 =	simm.s32 $0x1;
	[sflag:s2] =	ssyncpa.u1 $0x1  }
0x59: {  	[sflag:s31] =	ssyncpa.u1 $0x1  }
0x5a: {  	p0 =	sne.s32 s1, $0x0;
	_ =	strace $0x9000004A  }
0x5b: {  	s0 =	sadd.s32 @!p0 $0x100000, s0;
	[bflag:$0x2] =	sbarrier.arrive $0xFFFF  }
0x5c: {  	[sflag:s0] =	ssyncadd.tile.s32 @!p0 $0x1;
	_ =	shalt  }
.Lfunc_end2:
_tile_overlayer_lowered:
.L_overlay_start_2:
0x5d: {  	(tag) =	ssettag $0x2  }
0x5e: {  	s0 =	rddreg [dreg:$0x0];
	s2 =	stileid.u32  }
0x5f: {  	s1 =	rddreg [dreg:$0x1];
	p0 =	sne.s32 s2, $0x0  }
0x60: {  	s3 =	rddreg [dreg:$0x2];
	[bflag:$0x3] =	sbarrier.arrive $0xFFFF;
	s2 =	simm.s32 @!p0 $0x1C01  }
0x61: {  	[timem:s3], [sflag:s2] =	dma.local @!p0 [hbm:s0], s1  }
0x62: {  	s0 =	simm.s32 @!p0 $0x1  }
0x63: {  	_ =	swait.ge @!p0 [sflag:s0], s1  }
0x64: {  	s1 =	ssub.s32 @!p0 $0x0, s1;
	[sflag:s0] =	ssyncset.done @!p0 $0x0  }
0x65: {  	[sflag:s0] =	ssyncadd.s32 @!p0 s1  }
0x66: {  	[bflag:$0x3] =	sbarrier.arrive $0xFFFF  }
0x67: {  	_ =	shalt  }

// kernel: gather_offload_async_start
scs
__scs_entry_jumppad:
0x0: {  	(pc) =	sbr.rel $0x88, $3  }
0x1: {  	(tag) =	ssettag $0x0;
	lr =	simm.s32 $0x1  }
0x2: {  	[smem:$0x3F96] =	sst lr;
	_ =	strace $0xD0000000  }
0x3: {  	_ = 	snop  }
0x4: {  	_ = 	snop  }
0x5: {  	_ = 	snop  }
0x6: {  	_ = 	snop  }
0x7: {  	_ = 	snop  }
__scs_overlays_trampoline_lowered:
0x8: {  	[smem:$0x3FA5] =	sst s0  }
0x9: {  	[smem:$0x3FA6] =	sst s1  }
0xa: {  	[smem:$0x3FA7] =	sst s2  }
0xb: {  	[smem:$0x3FA8] =	sst s3  }
0xc: {  	[smem:$0x3FA9] =	sst s4  }
0xd: {  	[smem:$0x3FAA] =	sst s5  }
0xe: {  	[smem:$0x3FAB] =	sst s6  }
0xf: {  	[smem:$0x3FAC] =	sst s7  }
0x10: {  	[smem:$0x3FAD] =	sst s8  }
0x11: {  	[smem:$0x3FAE] =	sst s9;
	s0 =	simm.s32 @!p0 $0x0  }
0x12: {  	s1 =	sld [smem:$0x3F94];
	s0 =	simm.s32 @p0 $0x1  }
0x13: {  	[smem:$0x3FAF] =	sst s0;
	s0 =	simm.s32 @!p1 $0x0  }
0x14: {  	s2 =	sld [smem:$0x3F93];
	s0 =	simm.s32 @p1 $0x1  }
0x15: {  	[smem:$0x3FB0] =	sst s0;
	s0 =	simm.s32 @!p2 $0x0  }
0x16: {  	s3 =	sld [smem:$0x3FDB];
	s0 =	simm.s32 @p2 $0x1  }
0x17: {  	s4 =	simm.s32 $0x1BF5;
	[smem:$0x3FB2] =	sst s0  }
0x18: {  	s0 =	sld [smem:$0x3F95];
	_ =	swait.ge [sflag:s4], $0x0  }
0x19: {  	s7 =	sld [smem:$0x3F96]  }
0x1a: {  	s8 =	sadd.s32 $0xFFFFE003, lr  }
0x1b: {  	s9 =	sadd.s32 $0xFFFFFEF7, lr;
	s5 =	simm.s32 $0xFFFFFFFF;
	p2 =	slt.u32 s8, $0xFFFFF086  }
0x1c: {  	p1 =	slt.u32 s9, $0xF7A;
	s5 =	simm.s32 @!p2 $0x0  }
0x1d: {  	s5 =	simm.s32 @p1 $0x1;
	p0 =	seq.s32 s7, s2  }
0x1e: {  	s7 =	smul.u32 @!p0 $0xF7A, s2;
	p2 =	seq.s32 @!p0 s5, $0x0  }
0x1f: {  	s9 =	smul.u32 $0xF7A, s1;
	s8 =	simm.s32 @!p0 $0x1BF5;
	p2 =	por !p2, p0  }
0x20: {  	[sflag:s8] =	ssyncset.s32 @!p0 $0xFFFFF086;
	s6 =	sadd.s32 @!p0 s3, s7;
	s7 =	simm.s32 @!p0 $0x108  }
0x21: {  	s3 =	sadd.s32 s3, s9;
	s6 =	sadd.s32 @!p0 $0x88, s6;
	s7 =	simm.s32 @p2 $0x1082  }
0x22: {  	[simem:s7], [sflag:s8] =	dma.local @!p0 [hbm:s6], $0xF7A  }
0x23: {  	s9 =	sor.u32 $0xD0000000, s2;
	s6 =	simm.s32 $0x108;
	_ =	swait.ge @!p0 [sflag:s8], $0x0  }
0x24: {  	s3 =	sadd.s32 $0x88, s3;
	s6 =	simm.s32 @!p1 $0x1082;
	[sflag:s4] =	ssyncset.s32 $0xFFFFF086  }
0x25: {  	[simem:s6], [sflag:s4] =	dma.local [hbm:s3], $0xF7A  }
0x26: {  	[smem:$0x3F96] =	sst s1;
	(tag) =	ssettag s2;
	_ =	strace s9  }
0x27: {  	s1 =	sld [smem:$0x3FA6]  }
0x28: {  	s2 =	sld [smem:$0x3FA7]  }
0x29: {  	s4 =	sld [smem:$0x3FA9]  }
0x2a: {  	p0 =	seq.s32 s5, $0x0;
	s5 =	sld [smem:$0x3FAA]  }
0x2b: {  	s6 =	sld [smem:$0x3FAB]  }
0x2c: {  	s7 =	sld [smem:$0x3FAC]  }
0x2d: {  	s3 =	simm.s32 $0x108;
	s8 =	sld [smem:$0x3FAD]  }
0x2e: {  	s3 =	simm.s32 @!p0 $0x1082;
	s9 =	sld [smem:$0x3FAE]  }
0x2f: {  	lr =	sadd.s32 s0, s3;
	s0 =	sld [smem:$0x3FA5]  }
0x30: {  	s3 =	sld [smem:$0x3FA8]  }
0x31: {  	[smem:$0x3FB1] =	sst s10  }
0x32: {  	s10 =	sld [smem:$0x3FAF];
	_ =	sdelay $0x3  }
0x33: {  	p0 =	seq.s32 s10, $0x1;
	s10 =	sld [smem:$0x3FB1];
	_ =	sdelay $0x3  }
0x34: {  	[smem:$0x3FB1] =	sst s10  }
0x35: {  	s10 =	sld [smem:$0x3FB0];
	_ =	sdelay $0x3  }
0x36: {  	p1 =	seq.s32 s10, $0x1;
	s10 =	sld [smem:$0x3FB1];
	_ =	sdelay $0x3  }
0x37: {  	[smem:$0x3FB1] =	sst s10  }
0x38: {  	s10 =	sld [smem:$0x3FB2]  }
0x39: {  	_ = 	snop;
	(pc) =	sbr.ind lr, $3  }
0x3a: {  	_ = 	snop  }
0x3b: {  	_ = 	snop  }
0x3c: {  	p2 =	seq.s32 s10, $0x1;
	s10 =	sld [smem:$0x3FB1]  }
0x3d: {  	_ =	shalt  }
0x3e: {  	_ =	shalt  }
0x3f: {  	_ =	shalt  }
0x40: {  	_ =	shalt  }
0x41: {  	_ =	shalt  }
0x42: {  	_ =	shalt  }
0x43: {  	_ =	shalt  }
0x44: {  	_ =	shalt  }
0x45: {  	_ =	shalt  }
0x46: {  	_ =	shalt  }
0x47: {  	_ =	shalt  }
0x48: {  	_ =	shalt  }
0x49: {  	_ =	shalt  }
0x4a: {  	_ =	shalt  }
0x4b: {  	_ =	shalt  }
0x4c: {  	_ =	shalt  }
0x4d: {  	_ =	shalt  }
0x4e: {  	_ =	shalt  }
0x4f: {  	_ =	shalt  }
0x50: {  	_ =	shalt  }
0x51: {  	_ =	shalt  }
0x52: {  	_ =	shalt  }
0x53: {  	_ =	shalt  }
0x54: {  	_ =	shalt  }
0x55: {  	_ =	shalt  }
0x56: {  	_ =	shalt  }
0x57: {  	_ =	shalt  }
0x58: {  	_ =	shalt  }
0x59: {  	_ =	shalt  }
0x5a: {  	_ =	shalt  }
0x5b: {  	_ =	shalt  }
0x5c: {  	_ =	shalt  }
0x5d: {  	_ =	shalt  }
0x5e: {  	_ =	shalt  }
0x5f: {  	_ =	shalt  }
0x60: {  	_ =	shalt  }
0x61: {  	_ =	shalt  }
0x62: {  	_ =	shalt  }
0x63: {  	_ =	shalt  }
0x64: {  	_ =	shalt  }
0x65: {  	_ =	shalt  }
0x66: {  	_ =	shalt  }
0x67: {  	_ =	shalt  }
0x68: {  	_ =	shalt  }
0x69: {  	_ =	shalt  }
0x6a: {  	_ =	shalt  }
0x6b: {  	_ =	shalt  }
0x6c: {  	_ =	shalt  }
0x6d: {  	_ =	shalt  }
0x6e: {  	_ =	shalt  }
0x6f: {  	_ =	shalt  }
0x70: {  	_ =	shalt  }
0x71: {  	_ =	shalt  }
0x72: {  	_ =	shalt  }
0x73: {  	_ =	shalt  }
0x74: {  	_ =	shalt  }
0x75: {  	_ =	shalt  }
0x76: {  	_ =	shalt  }
0x77: {  	_ =	shalt  }
0x78: {  	_ =	shalt  }
0x79: {  	_ =	shalt  }
0x7a: {  	_ =	shalt  }
0x7b: {  	_ =	shalt  }
0x7c: {  	_ =	shalt  }
0x7d: {  	_ =	shalt  }
0x7e: {  	_ =	shalt  }
0x7f: {  	_ =	shalt  }
0x80: {  	_ =	shalt  }
0x81: {  	_ =	shalt  }
0x82: {  	_ =	shalt  }
0x83: {  	_ =	shalt  }
0x84: {  	_ =	shalt  }
0x85: {  	_ =	shalt  }
0x86: {  	_ =	shalt  }
0x87: {  	_ =	shalt  }
.Lfunc_end0:
.L_simem_size_0:
called_computation.1_lowered:
.L_overlay_start_0:
0x88: {  	s2 =	sld [smem:$0x3FD9]  }
0x89: {  	s3 =	sld [smem:$0x3FFE];
	_ =	sdelay $0x1  }
0x8a: {  	s1 =	srdreg.scid  }
0x8b: {  	s0 =	sand.u32 $0x1, s1  }
0x8c: {  	s16 =	sshll.u32 s0, $0xA;
	s2 =	sadd.s32 s3, s2  }
0x8d: {  	s2 =	sadd.s32 s2, s16  }
0x8e: {  	[smem:$0x3FBD] =	sst s2  }
0x8f: {  	_ = 	snop  }
0x90: {  	(tm) =	ssettm $0x1  }
0x91: {  	s17 =	sld [smem:$0x3FFB];
	_ =	sdelay $0x3  }
0x92: {  	_ =	strace s17  }
0x93: {  	s2 =	sld [smem:$0x3FFC];
	_ =	sdelay $0x3  }
0x94: {  	_ =	strace s2  }
0x95: {  	s2 =	sld [smem:$0x3FFD];
	_ =	sdelay $0x3  }
0x96: {  	_ =	strace s2  }
0x97: {  	_ =	strace $0x8FFFFFFF  }
0x98: {  	s18 =	sld [smem:$0x3FDB];
	_ =	sdelay $0x1  }
0x99: {  	s19 =	simm.s32 $_scs_section_size  }
0x9a: {  	s4 =	simm.s32 $_size__tile_overlayer_lowered;
	s5 =	simm.s32 $_tile_overlayer_lowered  }
0x9b: {  	s22 =	simm.s32 $0x1BFF;
	s21 =	sshll.u32 s5, $0x1;
	s2 =	sadd.s32 s19, s18  }
0x9c: {  	s6 =	simm.s32 $0x0;
	s20 =	sshll.u32 s4, $0x1;
	s4 =	sadd.s32 s21, s2  }
0x9d: {  	[timem:s6], [sflag:s22] =	dma.local [hbm:s4], s20  }
0x9e: {  	_ =	swait.ge [sflag:s22], s20  }
0x9f: {  	s3 =	ssub.s32 $0x0, s20;
	[sflag:s22] =	ssyncset.done $0x0  }
0xa0: {  	[sflag:s22] =	ssyncadd.s32 s3;
	_ =	sdelay $0x1  }
0xa1: {  	s23 =	simm.s32 $0x1B8B  }
0xa2: {  	_ =	swait.ge [sflag:s23], $0x1  }
0xa3: {  	[sflag:s23] =	ssyncset.done $0x0  }
0xa4: {  	s25 =	simm.s32 $0x1B8E;
	s24 =	sld [smem:$0x3FFE];
	[sflag:s23] =	ssyncadd.s32 $0xFFFFFFFF  }
0xa5: {  	s26 =	simm.s32 $execute0_lowered;
	[smem:$0x3FD2] =	sst s25  }
0xa6: {  	s4 =	sshll.u32 s26, $0x1;
	_ =	strace $0x80000046;
	[dreg:$0x1] =	wrdreg $0xFFFFFFFF  }
0xa7: {  	s28 =	simm.s32 $_size_execute0_lowered;
	s2 =	sadd.s32 s2, s4;
	[dreg:$0x0] =	wrdreg $0x0  }
0xa8: {  	s4 =	sshll.u32 s28, $0x1;
	[dreg:$0x2] =	wrdreg s2  }
0xa9: {  	[dreg:$0x3] =	wrdreg s4  }
0xaa: {  	[dreg:$0x4] =	wrdreg $0xC0  }
0xab: {  	_ =	task [dreg:s6], $0x5FFFF  }
0xac: {  	[dreg:$0x1] =	wrdreg $0xFFFFFFFF  }
0xad: {  	[dreg:$0x0] =	wrdreg $0x60  }
0xae: {  	[dreg:$0x2] =	wrdreg s24  }
0xaf: {  	[dreg:$0x3] =	wrdreg $0x9  }
0xb0: {  	_ =	task.clear_ibuf [dreg:s6], $0x4FFFF;
	_ =	strace $0x90000046  }
0xb1: {  	s29 =	simm.s32 $0x9;
	_ =	strace $0x80000048  }
0xb2: {  	_ =	swait.ge [sflag:s29], $0x1  }
0xb3: {  	[sflag:s29] =	ssyncadd.s32 $0xFFFFFFFF  }
0xb4: {  	_ =	strace $0x90000048  }
0xb5: {  	_ =	sfence  }
0xb6: {  	s30 =	sld [smem:$0x0];
	_ =	sdelay $0x2  }
0xb7: {  	s31 =	sshll.u32 s1, $0xD;
	s1 =	sshrl.u32 s1, $0x2  }
0xb8: {  	s3 =	sand.u32 $0x4000, s31;
	s1 =	sadd.s32 s1, s30  }
0xb9: {  	s0 =	sor.u32 s3, s0;
	s1 =	sshll.u32 s1, $0x11  }
0xba: {  	s0 =	sor.u32 s1, s0  }
0xbb: {  	s0 =	sadd.s32 $0x8F2B, s0  }
0xbc: {  	[sflag:s0] =	ssyncadd.remote.s32 $0x1  }
0xbd: {  	_ =	sfence.sel $0xFFFF  }
0xbe: {  	[dreg:$0x0] =	wrdreg $0xFFFFFFFF;
	(pc) =	sbr.abs _section_cstart, $3  }
0xbf: {  	[dreg:$0x1] =	wrdreg $0xFFFFFFFF  }
0xc0: {  	_ =	task.clear_ibuf [dreg:s6], $0x2FFFF;
	_ =	strace $0x9FFFFFFF  }
0xc1: {  	(tm) =	ssettm $0x7FFFFFFF  }
tec
execute0_lowered:
.L_overlay_start_1:
0x0: {  	(tag) =	ssettag $0x1  }
0x1: {  	s2 =	rddreg [dreg:$0x0]  }
0x2: {  	s0 =	rddreg [dreg:$0x1]  }
0x3: {  	s1 =	srdreg.scid;
	_ =	strace $0x80000047;
	s4 =	simm.s32 $0x1  }
0x4: {  	s9 =	simm.s32 $0x3;
	s12 =	simm.s32 $0x0;
	s5 =	sshll.u32 s1, $0x4  }
.Ltmp0:
0x5: {  	s1 =	stileid.u32;
	s5 =	sand.u32 $0x10, s5;
	(pc) =	sbr.rel .LBB2_1-.Ltmp0, $4  }
0x6: {  	s10 =	simm.s32 $0x0;
	s3 =	sadd.s32 $0x100200, s2;
	s6 =	sor.u32 s1, s5  }
0x7: {  	[sflag:s4] =	ssyncpa.u1 $0x0;
	s5 =	simm.s32 $0x2;
	s6 =	sshll.u32 s6, $0x8  }
0x8: {  	s7 =	sadd.s32 $0x100600, s2;
	[sflag:s5] =	ssyncpa.u1 $0x0;
	s8 =	sadd.s32 $0x100, s6  }
0x9: {  	vm0 =	vmmov $0xff;
	vm1 =	vcmask $0x3F20;
	[sflag:s9] =	ssyncpa.u1 $0x0;
	s9 =	simm.s32 $0x100;
	s11 =	smov.u32 s6  }
.LBB2_9:
0xa: {  	p0 =	seq.s32 s10, $0x2  }
.Ltmp1:
0xb: {  	_ = 	snop;
	(pc) =	sbr.rel @p0 .LBB2_11-.Ltmp1, $1  }
0xc: {  	_ =	sdelay $0x3  }
.LBB2_10:
0xd: {  	s12 =	sadd.s32 $0x100, s11  }
0xe: {  	s13 =	smov.u32 s6;
	p0 =	slt.s32 s12, s8  }
0xf: {  	s13 =	smov.u32 @p0 s12  }
0x10: {  	s10 =	sadd.s32 $0x1, s10;
	s12 =	smov.u32 s11;
	s11 =	smov.u32 s13  }
.LBB2_1:
0x11: {  	p0 =	sne.s32 s10, $0x0  }
.Ltmp2:
0x12: {  	_ = 	snop;
	(pc) =	sbr.rel @!p0 .LBB2_2-.Ltmp2, $1  }
0x13: {  	_ =	sdelay $0x3  }
0x14: {  	s13 =	sand.u32 $0x1, s10  }
0x15: {  	p0 =	seq.s32 s13, $0x0  }
.Ltmp3:
0x16: {  	_ = 	snop;
	(pc) =	sbr.rel @p0 .LBB2_9-.Ltmp3, $1  }
0x17: {  	_ =	sdelay $0x3  }
0x18: {  	_ =	swait.ge [sflag:s5], $0x100  }
0x19: {  	[sflag:s5] =	ssyncset.done $0x0  }
0x1a: {  	s13 =	simm.s32 $0x0;
	[sflag:s5] =	ssyncadd.s32 $0xFFFFFF00  }
0x1b: {  	v0 =	vld.msk [tilespmem:s13+$0x100 ss:$0x1], $0xffff;
	_ =	sdelay $0x4  }
0x1c: {  	v1 =	vshll.u32 v0, $0x5  }
0x1d: {  	vm2 =	veq.s32 v0, $0x80000000;
	v0 =	vshll.u32 v0, $0x14;
	v1 =	vand.u32 $0xFFF80, v1  }
0x1e: {  	v0 =	vand.u32 $0x300000, v0;
	v1 =	vsel vm2, $0xFFFFFF80, v1  }
0x1f: {  	v0 =	vsel vm2, $0xFFF00000, v0;
	v2 =	vand.u32 $0xFFFFFC00, v1  }
0x20: {  	v1 =	vand.u32 $0x380, v1;
	v0 =	vadd.s32 v0, v2  }
0x21: {  	v0 =	vor.u32 v1, v0  }
0x22: {  	v0 =	vshrl.u32 v0, $0x3;
	_ =	sdelay $0x3  }
0x23: {  	s13 =	simm.s32 $0x8200  }
0x24: {  	[tilespmem:s13], [sflag:$0x1] =	stream.indirect_vreg.gather [hbm:s2], $0x80, v0, vm0, $0x38;
	[tilespmem:$0x10200] =	vst v63  }
0x25: {  	s14 =	simm.s32 $0x8600;
	s31 =	simm.s32 $0x10  }
0x26: {  	[tilespmem:s14], [sflag:$0x1] =	stream.indirect_vreg.gather [hbm:s2], $0x80, v0, vm1, $0x38;
	[tilespmem:$0x10200] =	vst v63  }
0x27: {  	s14 =	simm.s32 $0x80;
	v0 =	vld.msk [tilespmem:s31+$0x100 ss:$0x1], $0xffff  }
.LBB2_5:
0x28: {  	p0 =	sne.s32 s14, $0x3C0;
	_ =	sdelay $0x4  }
0x29: {  	v1 =	vshll.u32 v0, $0x5  }
0x2a: {  	vm2 =	veq.s32 v0, $0x80000000;
	v0 =	vshll.u32 v0, $0x14;
	v1 =	vand.u32 $0xFFF80, v1  }
0x2b: {  	v0 =	vand.u32 $0x300000, v0;
	v1 =	vsel vm2, $0xFFFFFF80, v1  }
0x2c: {  	v0 =	vsel vm2, $0xFFF00000, v0;
	v2 =	vand.u32 $0xFFFFFC00, v1  }
0x2d: {  	v1 =	vand.u32 $0x380, v1;
	v0 =	vadd.s32 v0, v2  }
0x2e: {  	v0 =	vor.u32 v1, v0  }
0x2f: {  	v0 =	vshrl.u32 v0, $0x3;
	_ =	sdelay $0x3  }
.Ltmp4:
0x30: {  	s13 =	sadd.s32 $0x800, s13;
	(pc) =	sbr.rel @p0 .LBB2_5-.Ltmp4, $4  }
0x31: {  	[tilespmem:s13], [sflag:$0x1] =	stream.indirect_vreg.gather [hbm:s2], $0x80, v0, vm0, $0x38;
	[tilespmem:$0x10200] =	vst v63  }
0x32: {  	s15 =	sshra.s32 s14, $0x2;
	s16 =	sadd.s32 $0x400, s13  }
0x33: {  	[tilespmem:s16], [sflag:$0x1] =	stream.indirect_vreg.gather [hbm:s2], $0x80, v0, vm1, $0x38;
	[tilespmem:$0x10200] =	vst v63  }
0x34: {  	s14 =	sadd.s32 $0x40, s14;
	v0 =	vld.msk [tilespmem:s15+$0x100 ss:$0x1], $0xffff  }
0x35: {  	_ =	sdelay $0x3  }
0x36: {  	v1 =	vshll.u32 v0, $0x5  }
0x37: {  	vm2 =	veq.s32 v0, $0x80000000;
	v63 =	vshll.u32 v0, $0x14;
	v1 =	vand.u32 $0xFFF80, v1  }
0x38: {  	v0 =	vand.u32 $0x300000, v63;
	v1 =	vsel vm2, $0xFFFFFF80, v1  }
0x39: {  	v0 =	vsel vm2, $0xFFF00000, v0;
	v2 =	vand.u32 $0xFFFFFC00, v1  }
0x3a: {  	v1 =	vand.u32 $0x380, v1;
	v0 =	vadd.s32 v0, v2  }
0x3b: {  	v0 =	vor.u32 v1, v0  }
0x3c: {  	v0 =	vshrl.u32 v0, $0x3;
	_ =	sdelay $0x3  }
0x3d: {  	s13 =	sadd.s32 $0x800, s13  }
0x3e: {  	[tilespmem:s13], [sflag:$0x1] =	stream.indirect_vreg.gather [hbm:s2], $0x80, v0, vm0, $0x38;
	[tilespmem:$0x10200] =	vst v63  }
0x3f: {  	s13 =	sadd.s32 $0x400, s13  }
0x40: {  	[tilespmem:s13], [sflag:$0x1] =	stream.indirect_vreg.gather [hbm:s2], $0x80, v0, vm1, $0x38;
	[tilespmem:$0x10200] =	vst v63  }
0x41: {  	s12 =	sshll.u32 s12, $0x4;
	s14 =	simm.s32 $0x80;
	_ =	swait.ge [sflag:s4], $0x8000  }
0x42: {  	s15 =	simm.s32 $0x8600;
	s12 =	sadd.s32 s12, s7;
	[sflag:s4] =	ssyncset.done $0x0  }
0x43: {  	s16 =	sadd.s32 $0x0, s12;
	s13 =	simm.s32 $0x8200;
	[sflag:s4] =	ssyncadd.s32 $0xFFFF8000  }
.LBB2_7:
0x44: {  	[hbm:s16] =	stream.linear.scatter [tilespmem:s13], [sflag:$0x3], $0x400, $0x38;
	[tilespmem:$0x10200] =	vst v63  }
0x45: {  	s16 =	smov.u32 s14;
	s13 =	smov.u32 s15;
	p0 =	sne.s32 s14, $0xF80  }
.Ltmp5:
0x46: {  	s14 =	sadd.s32 $0x80, s14;
	(pc) =	sbr.rel @p0 .LBB2_7-.Ltmp5, $2  }
0x47: {  	_ =	sdelay $0x2  }
0x48: {  	s15 =	sadd.s32 $0x400, s15;
	s16 =	sadd.s32 s16, s12  }
.Ltmp6:
0x49: {  	(pc) =	sbr.rel .LBB2_9-.Ltmp6, $2  }
0x4a: {  	_ =	sdelay $0x2  }
0x4b: {  	[hbm:s16] =	stream.linear.scatter [tilespmem:s13], [sflag:$0x3], $0x400, $0x38;
	[tilespmem:$0x10200] =	vst v63  }
.LBB2_2:
.Ltmp7:
0x4c: {  	(pc) =	sbr.rel .LBB2_10-.Ltmp7, $4  }
0x4d: {  	_ = 	snop  }
0x4e: {  	s12 =	sshrl.u32 s11, $0x3  }
0x4f: {  	s13 =	sand.u32 $0x7, s11;
	s12 =	sadd.s32 s3, s12  }
0x50: {  	[tilespmem:s9], [sflag:$0x2] =	stream.linear.gather [hbm4b:s12+s13], $0x100, $0x38;
	[tilespmem:$0x10200] =	vst v63  }
.LBB2_11:
0x51: {  	s2 =	simm.s32 $0x3  }
0x52: {  	_ =	swait.ge [sflag:s2], $0x8000  }
0x53: {  	[sflag:s2] =	ssyncset.done $0x0  }
0x54: {  	[sflag:s2] =	ssyncadd.s32 $0xFFFF8000  }
0x55: {  	_ =	sfence.sel $0x180000  }
0x56: {  	s3 =	simm.s32 $0x2;
	[bflag:$0x0] =	sbarrier.arrive $0xFFFF  }
0x57: {  	[sflag:s3] =	ssyncpa.u1 $0x1  }
0x58: {  	s31 =	simm.s32 $0x1;
	[sflag:s2] =	ssyncpa.u1 $0x1  }
0x59: {  	[sflag:s31] =	ssyncpa.u1 $0x1  }
0x5a: {  	p0 =	sne.s32 s1, $0x0;
	_ =	strace $0x90000047  }
0x5b: {  	s0 =	sadd.s32 @!p0 $0x100000, s0;
	[bflag:$0x2] =	sbarrier.arrive $0xFFFF  }
0x5c: {  	[sflag:s0] =	ssyncadd.tile.s32 @!p0 $0x1;
	_ =	shalt  }
.Lfunc_end2:
_tile_overlayer_lowered:
.L_overlay_start_2:
0x5d: {  	(tag) =	ssettag $0x2  }
0x5e: {  	s0 =	rddreg [dreg:$0x0];
	s2 =	stileid.u32  }
0x5f: {  	s1 =	rddreg [dreg:$0x1];
	p0 =	sne.s32 s2, $0x0  }
0x60: {  	s3 =	rddreg [dreg:$0x2];
	[bflag:$0x3] =	sbarrier.arrive $0xFFFF;
	s2 =	simm.s32 @!p0 $0x1C01  }
0x61: {  	[timem:s3], [sflag:s2] =	dma.local @!p0 [hbm:s0], s1  }
0x62: {  	s0 =	simm.s32 @!p0 $0x1  }
0x63: {  	_ =	swait.ge @!p0 [sflag:s0], s1  }
0x64: {  	s1 =	ssub.s32 @!p0 $0x0, s1;
	[sflag:s0] =	ssyncset.done @!p0 $0x0  }
0x65: {  	[sflag:s0] =	ssyncadd.s32 @!p0 s1  }
0x66: {  	[bflag:$0x3] =	sbarrier.arrive $0xFFFF  }
0x67: {  	_ =	shalt  }

// kernel: sparse-core-data-format-call.cloned.1.call-start
scs
called_computation_lowered:
.L_overlay_start_0:
0x0: {  	s2 =	sld [smem:$0x3FD9]  }
0x1: {  	s3 =	sld [smem:$0x3FFE];
	_ =	sdelay $0x1  }
0x2: {  	s1 =	srdreg.scid  }
0x3: {  	s0 =	sand.u32 $0x1, s1  }
0x4: {  	s18 =	sshll.u32 s0, $0xA;
	s2 =	sadd.s32 s3, s2  }
0x5: {  	s2 =	sadd.s32 s2, s18  }
0x6: {  	[smem:$0x3FBD] =	sst s2  }
0x7: {  	_ = 	snop  }
0x8: {  	(tm) =	ssettm $0x1  }
0x9: {  	s19 =	sld [smem:$0x3FFB];
	_ =	sdelay $0x3  }
0xa: {  	_ =	strace s19  }
0xb: {  	s2 =	sld [smem:$0x3FFC];
	_ =	sdelay $0x3  }
0xc: {  	_ =	strace s2  }
0xd: {  	s2 =	sld [smem:$0x3FFD];
	_ =	sdelay $0x3  }
0xe: {  	_ =	strace s2  }
0xf: {  	_ =	strace $0x8FFFFFFF  }
0x10: {  	s20 =	sld [smem:$0x3FDB];
	_ =	sdelay $0x1  }
0x11: {  	s21 =	simm.s32 $_scs_section_size  }
0x12: {  	s4 =	simm.s32 $_size__tile_overlayer_lowered;
	s5 =	simm.s32 $_tile_overlayer_lowered  }
0x13: {  	s6 =	simm.s32 $0x1BFF;
	s22 =	sshll.u32 s5, $0x1;
	s3 =	sadd.s32 s21, s20  }
0x14: {  	s23 =	simm.s32 $0x0;
	s4 =	sshll.u32 s4, $0x1;
	s5 =	sadd.s32 s22, s3  }
0x15: {  	[timem:s23], [sflag:s6] =	dma.local [hbm:s5], s4  }
0x16: {  	_ =	swait.ge [sflag:s6], s4  }
0x17: {  	s4 =	ssub.s32 $0x0, s4;
	[sflag:s6] =	ssyncset.done $0x0  }
0x18: {  	[sflag:s6] =	ssyncadd.s32 s4;
	_ =	sdelay $0x1  }
0x19: {  	s24 =	simm.s32 $0x1B8B  }
0x1a: {  	_ =	swait.ge [sflag:s24], $0x1  }
0x1b: {  	[sflag:s24] =	ssyncset.done $0x0  }
0x1c: {  	[sflag:s24] =	ssyncadd.s32 $0xFFFFFFFF  }
0x1d: {  	s4 =	sld [smem:$0x0]  }
0x1e: {  	s5 =	sand.u32 $0xFFFFFFFE, s1  }
0x1f: {  	p0 =	sne.s32 s1, s5  }
0x20: {  	s5 =	sshll.u32 @p0 s5, $0xE  }
0x21: {  	s5 =	sadd.s32 @p0 $0x11B8D, s5;
	s6 =	sshll.u32 @p0 s4, $0x11  }
0x22: {  	s5 =	sor.u32 @p0 s6, s5  }
0x23: {  	[sflag:s5] =	ssyncadd.remote.s32 @p0 $0x1;
	_ =	sdelay $0x1  }
0x24: {  	s5 =	simm.s32 @p0 $0x1B8D  }
0x25: {  	_ =	swait.eq @p0 [sflag:s5], $0x1  }
0x26: {  	[sflag:s5] =	ssyncadd.s32 @p0 $0xFFFFFFFF  }
0x27: {  	s6 =	sshll.u32 @!p0 s1, $0xE  }
0x28: {  	s6 =	sor.u32 @!p0 $0x4000, s6;
	s5 =	simm.s32 @!p0 $0x1B8D  }
0x29: {  	s4 =	sshll.u32 @!p0 s4, $0x11;
	s6 =	sadd.s32 @!p0 $0x11B8D, s6;
	_ =	swait.eq @!p0 [sflag:s5], $0x1  }
0x2a: {  	s4 =	sor.u32 @!p0 s4, s6;
	[sflag:s5] =	ssyncadd.s32 @!p0 $0xFFFFFFFF  }
0x2b: {  	s26 =	simm.s32 $0x1B8E;
	s25 =	sld [smem:$0x3FFE];
	[sflag:s4] =	ssyncadd.remote.s32 @!p0 $0x1  }
0x2c: {  	s27 =	simm.s32 $execute0_lowered;
	[smem:$0x3FD2] =	sst s26  }
0x2d: {  	s5 =	sshll.u32 s27, $0x1;
	_ =	strace $0x8000004C;
	[dreg:$0x1] =	wrdreg $0xFFFFFFFF  }
0x2e: {  	s28 =	simm.s32 $_size_execute0_lowered;
	s3 =	sadd.s32 s3, s5;
	[dreg:$0x0] =	wrdreg $0x0  }
0x2f: {  	s5 =	sshll.u32 s28, $0x1;
	[dreg:$0x2] =	wrdreg s3  }
0x30: {  	[dreg:$0x3] =	wrdreg s5  }
0x31: {  	[dreg:$0x4] =	wrdreg $0xC0  }
0x32: {  	_ =	task [dreg:s23], $0x5FFFF  }
0x33: {  	[dreg:$0x1] =	wrdreg $0xFFFFFFFF  }
0x34: {  	[dreg:$0x0] =	wrdreg $0x60  }
0x35: {  	[dreg:$0x2] =	wrdreg s25  }
0x36: {  	[dreg:$0x3] =	wrdreg $0x9  }
0x37: {  	_ =	task.clear_ibuf [dreg:s23], $0x4FFFF;
	_ =	strace $0x9000004C  }
0x38: {  	s29 =	simm.s32 $0x9;
	_ =	strace $0x8000004E  }
0x39: {  	_ =	swait.ge [sflag:s29], $0x1  }
0x3a: {  	[sflag:s29] =	ssyncadd.s32 $0xFFFFFFFF  }
0x3b: {  	_ =	strace $0x9000004E  }
0x3c: {  	_ =	sfence  }
0x3d: {  	s30 =	sld [smem:$0x0];
	_ =	sdelay $0x2  }
0x3e: {  	s31 =	sshll.u32 s1, $0xD;
	s1 =	sshrl.u32 s1, $0x2  }
0x3f: {  	s4 =	sand.u32 $0x4000, s31;
	s1 =	sadd.s32 s1, s30  }
0x40: {  	s0 =	sor.u32 s4, s0;
	s1 =	sshll.u32 s1, $0x11  }
0x41: {  	s0 =	sor.u32 s1, s0  }
0x42: {  	s0 =	sadd.s32 $0x8F2B, s0  }
0x43: {  	[sflag:s0] =	ssyncadd.remote.s32 $0x1  }
0x44: {  	_ =	sfence.sel $0xFFFF  }
0x45: {  	[dreg:$0x0] =	wrdreg $0xFFFFFFFF;
	(pc) =	sbr.abs _section_cstart, $3  }
0x46: {  	[dreg:$0x1] =	wrdreg $0xFFFFFFFF  }
0x47: {  	_ =	task.clear_ibuf [dreg:s23], $0x2FFFF;
	_ =	strace $0x9FFFFFFF  }
0x48: {  	(tm) =	ssettm $0x7FFFFFFF  }
0x49: {  	_ =	shalt  }
tec
execute0_lowered:
.L_overlay_start_1:
0x0: {  	(tag) =	ssettag $0x1  }
0x1: {  	s0 =	stileid.u32;
	s1 =	srdreg.scid  }
0x2: {  	s4 =	rddreg [dreg:$0x0];
	s7 =	simm.s32 $0x1;
	s31 =	simm.s32 $0x2  }
0x3: {  	s16 =	simm.s32 $0x0;
	s2 =	sshll.u32 s0, $0x5;
	s1 =	sshll.u32 s1, $0x9  }
0x4: {  	s9 =	simm.s32 $0x4000;
	s14 =	simm.s32 $0x0;
	s1 =	sor.u32 s2, s1  }
0x5: {  	s15 =	simm.s32 $0x0;
	s10 =	simm.s32 $0x0;
	s2 =	sand.u32 $0x380, s1  }
0x6: {  	s13 =	simm.s32 $0x0;
	s3 =	sadd.s32 $0x1A9200, s4;
	s5 =	ssub.s32 $0x800, s2  }
0x7: {  	s4 =	sadd.s32 $0x9A9200, s4;
	s1 =	rddreg [dreg:$0x1];
	s6 =	sand.u32 $0x380, s5  }
.Ltmp0:
0x8: {  	_ =	strace $0x8000004D;
	p0 =	sne.s32 s6, $0x0;
	(pc) =	sbr.rel .LBB1_1-.Ltmp0, $4  }
0x9: {  	s11 =	smov.u32 s2;
	s8 =	sshrl.u32 s5, $0xA;
	s7 =	simm.s32 @!p0 $0x0  }
0xa: {  	s5 =	sand.u32 $0x3, s0;
	s6 =	simm.s32 $0x1;
	s7 =	sadd.s32 s7, s8  }
0xb: {  	s12 =	smov.u32 s5;
	[sflag:s6] =	ssyncpa.u1 $0x0;
	s7 =	sshll.u32 s7, $0x6  }
0xc: {  	p0 =	por $0x0, $0x0;
	[sflag:s31] =	ssyncpa.u1 $0x0;
	s8 =	sor.u32 $0x1, s7  }
.LBB1_4:
0xd: {  	v5 =	vld [tilespmem:s19+$0xFFFFFFD0]  }
0xe: {  	[tilespmem:s20+$0x2040 ss:$0x81] =	vst.msk $0xffff, v1;
	v58 =	vld [tilespmem:s19+$0xFFFFFFE0]  }
0xf: {  	[tilespmem:s20+$0x2850 ss:$0x81] =	vst.msk $0xffff, v2;
	v59 =	vld [tilespmem:s19+$0xFFFFFFF0]  }
0x10: {  	s21 =	sshra.s32 s21, $0x2;
	[tilespmem:s20+$0x3060 ss:$0x81] =	vst.msk $0xffff, v3;
	v60 =	vld [tilespmem:s19+$0x0]  }
0x11: {  	[tilespmem:s20+$0x0 ss:$0x81] =	vst.msk $0xffff, v0;
	v61 =	vld [tilespmem:s19+$0x10];
	s18 =	sadd.s32 s21, s18  }
0x12: {  	s26 =	sshll.u32 s16, $0xB;
	v62 =	vld [tilespmem:s19+$0x20];
	[tilespmem:s18+$0x3870 ss:$0x81] =	vst.msk $0xffff, v4  }
0x13: {  	s27 =	sand.u32 $0x78, s14;
	s22 =	sshll.u32 s14, $0x3;
	v63 =	vld [tilespmem:s19+$0xFFFFFFC0];
	s29 =	sshll.u32 s16, $0x7;
	[tilespmem:s18+$0x810 ss:$0x81] =	vst.msk $0xffff, v5  }
0x14: {  	s15 =	sshll.u32 s15, $0x15;
	s20 =	sand.u32 $0xFFC000, s26;
	s28 =	sand.u32 $0xFFFC00, s22;
	[tilespmem:s18+$0x1020 ss:$0x81] =	vst.msk $0xffff, v58  }
0x15: {  	s31 =	sand.u32 $0x7, s14;
	s22 =	sand.u32 $0x400, s22;
	s19 =	sadd.s32 s28, s20;
	[tilespmem:s18+$0x1830 ss:$0x81] =	vst.msk $0xffff, v59  }
0x16: {  	s16 =	sand.u32 $0x380, s29;
	s30 =	sor.u32 s27, s22;
	s19 =	sshrl.u32 s19, $0x3;
	[tilespmem:s18+$0x2040 ss:$0x81] =	vst.msk $0xffff, v60  }
0x17: {  	s15 =	sadd.s32 s4, s15;
	s16 =	sor.u32 s16, s30;
	s19 =	sand.u32 $0x1FFF00, s19;
	[tilespmem:s18+$0x2850 ss:$0x81] =	vst.msk $0xffff, v61  }
0x18: {  	s14 =	sshll.u32 s31, $0x12;
	s16 =	sshrl.u32 s16, $0x3;
	[tilespmem:s18+$0x3060 ss:$0x81] =	vst.msk $0xffff, v62;
	s15 =	sadd.s32 s19, s15  }
0x19: {  	s14 =	sor.u32 $0x400, s14;
	[tilespmem:s18+$0x0 ss:$0x81] =	vst.msk $0xffff, v63;
	s15 =	sadd.s32 s16, s15  }
0x1a: {  	[hbm4b:s15+s14] =	stream.strided.scatter [tilespmem:s17], [sflag:$0x2], $0x4000, s9, s14, $0x20;
	[tilespmem:$0x10100] =	vst v63  }
.LBB1_5:
0x1b: {  	s17 =	sadd.s32 $0x80, s10  }
0x1c: {  	s14 =	sadd.s32 $0x400, s11;
	s18 =	smov.u32 s11;
	p2 =	sgt.s32 s17, $0x1FFF  }
0x1d: {  	s18 =	smov.u32 @p2 s14  }
0x1e: {  	s20 =	smov.u32 s12;
	s14 =	sadd.s32 $0x4, s12;
	p3 =	sgt.s32 s18, $0x7FF  }
0x1f: {  	s20 =	smov.u32 @p3 s14  }
0x20: {  	s17 =	simm.s32 @p2 $0x0;
	p2 =	sgt.s32 s20, $0x3  }
0x21: {  	p1 =	slt.u32 s13, $0x2;
	s20 =	smov.u32 @p2 s5;
	p2 =	sne.s32 s13, s8  }
.Ltmp1:
0x22: {  	s19 =	simm.s32 @!p1 $0x2;
	(pc) =	sbr.rel @!p2 .LBB1_6-.Ltmp1, $4  }
0x23: {  	s16 =	smov.u32 s10;
	s15 =	smov.u32 s12;
	_ =	swait.ge @!p1 [sflag:s19], $0x4000  }
0x24: {  	p0 =	por !p0, !p0;
	[sflag:s19] =	ssyncset.done @!p1 $0x0;
	s10 =	smov.u32 s17  }
0x25: {  	s18 =	smov.u32 @p3 s2;
	s14 =	smov.u32 s11;
	[sflag:s19] =	ssyncadd.s32 @!p1 $0xFFFFC000  }
0x26: {  	s11 =	smov.u32 s18;
	s13 =	sadd.s32 $0x1, s13;
	s12 =	smov.u32 s20  }
.LBB1_1:
0x27: {  	p1 =	sge.u32 s13, s7;
	s31 =	sadd.s32 $0xFFFFFFFF, s13  }
0x28: {  	s17 =	sxor.u32 @!p1 $0xFFFFFFFF, s13;
	s18 =	sand.u32 @!p1 $0x78, s10;
	s19 =	sshll.u32 @!p1 s11, $0xD  }
0x29: {  	s20 =	sshll.u32 @!p1 s11, $0x7;
	s21 =	sshll.u32 @!p1 s10, $0x3;
	s17 =	sshll.u32 @!p1 s17, $0xE  }
0x2a: {  	s19 =	sand.u32 @!p1 $0xFF0000, s19;
	s20 =	sand.u32 @!p1 $0x380, s20;
	s17 =	sand.u32 @!p1 $0x4000, s17  }
0x2b: {  	s19 =	sadd.s32 @!p1 s19, s21;
	s21 =	sand.u32 @!p1 $0x1C00, s21;
	s18 =	sor.u32 @!p1 s20, s18  }
0x2c: {  	s20 =	sshll.u32 @!p1 s12, $0x15;
	s18 =	sor.u32 @!p1 s21, s18;
	s19 =	sshrl.u32 @!p1 s19, $0x3  }
0x2d: {  	s20 =	sadd.s32 @!p1 s3, s20;
	s21 =	sand.u32 @!p1 $0x7, s10;
	s19 =	sand.u32 @!p1 $0x1FFC00, s19  }
0x2e: {  	s18 =	sshrl.u32 @!p1 s18, $0x3;
	s19 =	sadd.s32 @!p1 s19, s20;
	s20 =	sshll.u32 @!p1 s21, $0x12  }
0x2f: {  	s18 =	sadd.s32 @!p1 s18, s19;
	s19 =	sor.u32 @!p1 $0x400, s20;
	s20 =	simm.s32 @!p1 $0x10000  }
0x30: {  	[tilespmem:s17], [sflag:$0x1] =	stream.strided.gather @!p1 [hbm4b:s18+s19], $0x4000, s20, s19, $0x38;
	[tilespmem:$0x10100] =	vst v63  }
0x31: {  	p1 =	sge.u32 s31, s7  }
.Ltmp2:
0x32: {  	_ = 	snop;
	(pc) =	sbr.rel @p1 .LBB1_5-.Ltmp2, $1  }
0x33: {  	_ =	sdelay $0x3  }
0x34: {  	s17 =	simm.s32 $0x1  }
0x35: {  	_ =	swait.ge [sflag:s6], $0x4000;
	s17 =	simm.s32 @!p0 $0x0  }
0x36: {  	[sflag:s6] =	ssyncset.done $0x0;
	s18 =	sshll.u32 s17, $0xE  }
0x37: {  	[sflag:s6] =	ssyncadd.s32 $0xFFFFC000;
	s19 =	sor.u32 $0x40, s18  }
0x38: {  	s17 =	smul.u32 $0x10200, s17;
	v0 =	vld [tilespmem:s19+$0x30]  }
0x39: {  	v3 =	vld [tilespmem:s19+$0xFFFFFFD0]  }
0x3a: {  	s17 =	sshrl.u32 s17, $0x2;
	v4 =	vld [tilespmem:s19+$0xFFFFFFE0]  }
0x3b: {  	v5 =	vld [tilespmem:s19+$0xFFFFFFF0];
	s18 =	sor.u32 $0x8000, s17  }
0x3c: {  	s31 =	sand.u32 $0x1, s13;
	v1 =	vld [tilespmem:s19+$0x0];
	s20 =	sadd.s32 $0x0, s18  }
0x3d: {  	v2 =	vld [tilespmem:s19+$0x10];
	s17 =	smul.u32 $0x10200, s31;
	[tilespmem:s20+$0x3870 ss:$0x81] =	vst.msk $0xffff, v0  }
0x3e: {  	[tilespmem:s20+$0x810 ss:$0x81] =	vst.msk $0xffff, v3;
	v3 =	vld [tilespmem:s19+$0x20]  }
0x3f: {  	s17 =	sshrl.u32 s17, $0x2;
	v0 =	vld [tilespmem:s19+$0xFFFFFFC0];
	[tilespmem:s20+$0x1020 ss:$0x81] =	vst.msk $0xffff, v4;
	s19 =	sadd.s32 $0x80, s19  }
0x40: {  	s21 =	simm.s32 $0x4;
	s22 =	simm.s32 $0x8;
	s17 =	sor.u32 $0x8000, s17;
	[tilespmem:s20+$0x1830 ss:$0x81] =	vst.msk $0xffff, v5;
	v4 =	vld [tilespmem:s19+$0x30]  }
.LBB1_3:
0x41: {  	p1 =	sne.s32 s22, $0x1FC;
	v5 =	vld [tilespmem:s19+$0xFFFFFFD0];
	[tilespmem:s20+$0x2040 ss:$0x81] =	vst.msk $0xffff, v1  }
0x42: {  	v6 =	vld [tilespmem:s19+$0xFFFFFFE0];
	[tilespmem:s20+$0x2850 ss:$0x81] =	vst.msk $0xffff, v2  }
0x43: {  	s23 =	sshra.s32 s21, $0x2;
	s21 =	smov.u32 s22;
	v7 =	vld [tilespmem:s19+$0xFFFFFFF0];
	[tilespmem:s20+$0x3060 ss:$0x81] =	vst.msk $0xffff, v3  }
.Ltmp3:
0x44: {  	v1 =	vld [tilespmem:s19+$0x0];
	[tilespmem:s20+$0x0 ss:$0x81] =	vst.msk $0xffff, v0;
	s20 =	sadd.s32 s23, s18;
	(pc) =	sbr.rel @p1 .LBB1_3-.Ltmp3, $4  }
0x45: {  	v2 =	vld [tilespmem:s19+$0x10];
	[tilespmem:s20+$0x3870 ss:$0x81] =	vst.msk $0xffff, v4  }
0x46: {  	[tilespmem:s20+$0x810 ss:$0x81] =	vst.msk $0xffff, v5;
	v3 =	vld [tilespmem:s19+$0x20]  }
0x47: {  	v0 =	vld [tilespmem:s19+$0xFFFFFFC0];
	[tilespmem:s20+$0x1020 ss:$0x81] =	vst.msk $0xffff, v6;
	s19 =	sadd.s32 $0x80, s19  }
0x48: {  	s22 =	sadd.s32 $0x4, s22;
	v4 =	vld [tilespmem:s19+$0x30];
	[tilespmem:s20+$0x1830 ss:$0x81] =	vst.msk $0xffff, v7  }
.Ltmp4:
0x49: {  	_ = 	snop;
	(pc) =	sbr.rel .LBB1_4-.Ltmp4, $1  }
0x4a: {  	_ =	sdelay $0x3  }
.LBB1_6:
0x4b: {  	_ =	sfence.sel $0x180000  }
0x4c: {  	s2 =	simm.s32 $0x1;
	[bflag:$0x0] =	sbarrier.arrive $0xFFFF  }
0x4d: {  	s31 =	simm.s32 $0x2;
	[sflag:s2] =	ssyncpa.u1 $0x1  }
0x4e: {  	[sflag:s31] =	ssyncpa.u1 $0x1  }
0x4f: {  	p0 =	sne.s32 s0, $0x0;
	_ =	strace $0x9000004D  }
0x50: {  	s0 =	sadd.s32 @!p0 $0x100000, s1;
	[bflag:$0x2] =	sbarrier.arrive $0xFFFF  }
0x51: {  	[sflag:s0] =	ssyncadd.tile.s32 @!p0 $0x1;
	_ =	shalt  }
.Lfunc_end1:
_tile_overlayer_lowered:
.L_overlay_start_2:
0x52: {  	(tag) =	ssettag $0x2  }
0x53: {  	s0 =	rddreg [dreg:$0x0];
	s2 =	stileid.u32  }
0x54: {  	s1 =	rddreg [dreg:$0x1];
	p0 =	sne.s32 s2, $0x0  }
0x55: {  	s3 =	rddreg [dreg:$0x2];
	[bflag:$0x3] =	sbarrier.arrive $0xFFFF;
	s2 =	simm.s32 @!p0 $0x1C01  }
0x56: {  	[timem:s3], [sflag:s2] =	dma.local @!p0 [hbm:s0], s1  }
0x57: {  	s0 =	simm.s32 @!p0 $0x1  }
0x58: {  	_ =	swait.ge @!p0 [sflag:s0], s1  }
0x59: {  	s1 =	ssub.s32 @!p0 $0x0, s1;
	[sflag:s0] =	ssyncset.done @!p0 $0x0  }
0x5a: {  	[sflag:s0] =	ssyncadd.s32 @!p0 s1  }
0x5b: {  	[bflag:$0x3] =	sbarrier.arrive $0xFFFF  }
0x5c: {  	_ =	shalt  }

</sc_bundles>
